<compile_context>
chip_gen: v7x
topology: tpu7x:2x2x1
jax: 0.10.2.dev20260603
libtpu: 0.0.44.dev20260713+nightly
codegen_flags: <defaults>
</compile_context>

<pallas_src>
import jax
import jax.numpy as jnp
from jax import lax
from jax.experimental import pallas as pl
from jax.experimental.pallas import tpu as pltpu
from jax.experimental.pallas import tpu_sc as plsc

B = 16384
V = 100001
D = 32
H1 = 256
H2 = 64

NC = 2
NS = 16
NW = NC * NS
OCH = 4096
NOCH = B // OCH

_LANES = 16
_UNROLL = 8


def _sc_gather_body(utabT_hbm, mtabT_hbm, uid_hbm, mid_hbm, out_hbm,
                    idx_v, row_v, ob0, ob1, spm_idx,
                    sem_row, sem_idx, sem_o0, sem_o1):
    sid = lax.axis_index("s")
    d = sid * NC + lax.axis_index("c")
    obufs = (ob0, ob1)
    osems = (sem_o0, sem_o1)
    pending = [None, None]

    first_row_cp = pltpu.async_copy(utabT_hbm.at[d], row_v, sem_row)

    @pl.when(sid == 0)
    def _stage_idx():
        a = pltpu.async_copy(uid_hbm, spm_idx.at[0], sem_idx)
        b = pltpu.async_copy(mid_hbm, spm_idx.at[1], sem_idx)
        a.wait()
        b.wait()

    plsc.subcore_barrier()

    for ti, (tab_hbm, row_base) in enumerate(((utabT_hbm, 0),
                                              (mtabT_hbm, D))):
        if ti == 0:
            row_cp = first_row_cp
        else:
            row_cp = pltpu.async_copy(tab_hbm.at[d], row_v, sem_row)
        idx_cp = pltpu.async_copy(spm_idx.at[ti], idx_v, sem_idx)
        row_cp.wait()
        idx_cp.wait()
        for c in range(NOCH):
            ob = obufs[c % 2]
            if pending[c % 2] is not None:
                pending[c % 2].wait()

            @plsc.parallel_loop(c * OCH, (c + 1) * OCH, step=_LANES,
                                unroll=_UNROLL)
            def _inner(off, _c=c, _ob=ob):
                vals = plsc.load_gather(row_v, [idx_v[pl.ds(off, _LANES)]])
                _ob[pl.ds(off - _c * OCH, _LANES)] = vals
            pending[c % 2] = pltpu.async_copy(
                ob, out_hbm.at[row_base + d, pl.ds(c * OCH, OCH)],
                osems[c % 2])
    for cp in pending:
        cp.wait()


def _sc_gather(utabT, mtabT, uid, mid):
    return pl.kernel(
        _sc_gather_body,
        out_type=jax.ShapeDtypeStruct((2 * D, B), jnp.float32),
        mesh=plsc.VectorSubcoreMesh(core_axis_name="c", subcore_axis_name="s"),
        compiler_params=pltpu.CompilerParams(needs_layout_passes=False,
                                             skip_device_barrier=True),
        scratch_types=[
            pltpu.VMEM((B,), jnp.int32),
            pltpu.VMEM((V,), jnp.float32),
            pltpu.VMEM((OCH,), jnp.float32),
            pltpu.VMEM((OCH,), jnp.float32),
            pltpu.VMEM_SHARED((2, B), jnp.int32),
            pltpu.SemaphoreType.DMA,
            pltpu.SemaphoreType.DMA,
            pltpu.SemaphoreType.DMA,
            pltpu.SemaphoreType.DMA,
        ],
    )(utabT, mtabT, uid, mid)


def _mlp_body(xT_ref, w1t_ref, b1_ref, w2t_ref, b2_ref,
              w3_ref, b3_ref, outT_ref):
    x = xT_ref[...].astype(jnp.bfloat16)
    w1 = w1t_ref[...].astype(jnp.bfloat16)
    h1 = lax.dot_general(w1, x, (((1,), (0,)), ((), ())),
                         preferred_element_type=jnp.float32)
    h1 = jnp.maximum(h1 + b1_ref[...], 0.0).astype(jnp.bfloat16)
    w2 = w2t_ref[...].astype(jnp.bfloat16)
    h2 = lax.dot_general(w2, h1, (((1,), (0,)), ((), ())),
                         preferred_element_type=jnp.float32)
    h2 = jnp.maximum(h2 + b2_ref[...], 0.0)
    outT_ref[...] = (jnp.sum(h2 * w3_ref[...], axis=0, keepdims=True)
                     + b3_ref[0])


BLK = 8192


def _mlp(xT, W1, b1, W2, b2, W3, b3):
    grid = B // BLK
    outT = pl.pallas_call(
        _mlp_body,
        grid=(grid,),
        in_specs=[
            pl.BlockSpec((2 * D, BLK), lambda i: (0, i)),
            pl.BlockSpec((H1, 2 * D), lambda i: (0, 0)),
            pl.BlockSpec((H1, 1), lambda i: (0, 0)),
            pl.BlockSpec((H2, H1), lambda i: (0, 0)),
            pl.BlockSpec((H2, 1), lambda i: (0, 0)),
            pl.BlockSpec((H2, 1), lambda i: (0, 0)),
            pl.BlockSpec(memory_space=pltpu.SMEM),
        ],
        out_specs=pl.BlockSpec((1, BLK), lambda i: (0, i)),
        out_shape=jax.ShapeDtypeStruct((1, B), jnp.float32),
        compiler_params=pltpu.CompilerParams(skip_device_barrier=True),
    )(xT, W1.T, b1.reshape(H1, 1), W2.T, b2.reshape(H2, 1), W3, b3)
    return outT.reshape(B, 1)


def kernel(user_id, movie_title, user_table, movie_table,
           W1, b1, W2, b2, W3, b3):
    uid = user_id.astype(jnp.int32)
    mid = movie_title.astype(jnp.int32)
    xT = _sc_gather(user_table.T, movie_table.T, uid, mid)
    return _mlp(xT, W1, b1, W2, b2, W3, b3)

# --- scband reference (transcript-rebuilt; emitter-appended) ---
"""Pipeline reference for scband-ranking-model-53910429499891 (READ-ONLY COPY).

The authoritative reference and input builder live on the scoring server;
editing this copy changes nothing except your own understanding.
"""

import jax, jax.numpy as jnp
import numpy as np

B = 16384
VU = 100001  # 100000 unique user ids + 1 OOV row from StringLookup
VM = 100001  # 100000 unique movie titles + 1 OOV row
D = 32       # embedding_dimension hard-coded in the module


def setup_inputs(seed: int = 0) -> dict:
    key = jax.random.key(seed)
    ks = jax.random.split(key, 10)
    user_id = jax.random.randint(ks[0], (B,), 0, VU)
    movie_title = jax.random.randint(ks[1], (B,), 0, VM)
    user_table = jax.random.normal(ks[2], (VU, D), dtype=jnp.float32) * 0.05
    movie_table = jax.random.normal(ks[3], (VM, D), dtype=jnp.float32) * 0.05
    W1 = jax.random.normal(ks[4], (2 * D, 256), dtype=jnp.float32) * 0.05
    b1 = jnp.zeros((256,), dtype=jnp.float32)
    W2 = jax.random.normal(ks[5], (256, 64), dtype=jnp.float32) * 0.05
    b2 = jnp.zeros((64,), dtype=jnp.float32)
    W3 = jax.random.normal(ks[6], (64, 1), dtype=jnp.float32) * 0.05
    b3 = jnp.zeros((1,), dtype=jnp.float32)
    return {
        "user_id": user_id,
        "movie_title": movie_title,
        "user_table": user_table,
        "movie_table": movie_table,
        "W1": W1, "b1": b1,
        "W2": W2, "b2": b2,
        "W3": W3, "b3": b3,
    }


def reference(user_id, movie_title, user_table, movie_table, W1, b1, W2, b2, W3, b3):
    # StringLookup + Embedding == integer-id gather from the embedding table
    user_embedding = jnp.take(user_table, user_id, axis=0)      # [B, D]
    movie_embedding = jnp.take(movie_table, movie_title, axis=0)  # [B, D]
    x = jnp.concatenate([user_embedding, movie_embedding], axis=1)  # [B, 2D]
    h = jax.nn.relu(x @ W1 + b1)   # Dense(256, relu)
    h = jax.nn.relu(h @ W2 + b2)   # Dense(64, relu)
    out = h @ W3 + b3              # Dense(1)
    return out

if __name__ == "__main__":
    import jax
    _d = setup_inputs()
    print(jax.jit(kernel)(*tuple(_d.values())))

</pallas_src>

<mosaic_0001>
#map = affine_map<(d0, d1) -> (0, 0)>
#map1 = affine_map<(d0, d1) -> (0)>
module attributes {stable_mosaic.version = 14 : i64} {
  func.func @_sc_gather_body(%arg0: i32, %arg1: i32, %arg2: memref<32x100001xf32, #tpu.memory_space<hbm>>, %arg3: memref<32x100001xf32, #tpu.memory_space<hbm>>, %arg4: memref<16384xi32, #tpu.memory_space<hbm>>, %arg5: memref<16384xi32, #tpu.memory_space<hbm>>, %arg6: memref<64x16384xf32, #tpu.memory_space<hbm>>, %arg7: memref<16384xi32, #tpu.memory_space<vmem>>, %arg8: memref<100001xf32, #tpu.memory_space<vmem>>, %arg9: memref<4096xf32, #tpu.memory_space<vmem>>, %arg10: memref<4096xf32, #tpu.memory_space<vmem>>, %arg11: memref<2x16384xi32, #tpu.memory_space<vmem_shared>>, %arg12: memref<!tpu.dma_semaphore, #tpu.memory_space<semaphore_mem>>, %arg13: memref<!tpu.dma_semaphore, #tpu.memory_space<semaphore_mem>>, %arg14: memref<!tpu.dma_semaphore, #tpu.memory_space<semaphore_mem>>, %arg15: memref<!tpu.dma_semaphore, #tpu.memory_space<semaphore_mem>>) attributes {dimension_semantics = [#tpu.dimension_semantics<core_parallel>, #tpu.dimension_semantics<subcore_parallel>], iteration_bounds = array<i64: 2, 16>, scalar_prefetch = 0 : i64, scratch_operands = 9 : i64, tpu.core_type = #tpu.core_type<sc_vector_subcore>, window_params = [{transform_indices = #map}, {transform_indices = #map}, {transform_indices = #map1}, {transform_indices = #map1}, {transform_indices = #map}]} {
    %mul3A = arith.constant 2 : i32
    %mul3A_0 = arith.muli %arg1, %mul3A : i32
    %add3A = arith.addi %mul3A_0, %arg0 : i32
    %dma_start3A = arith.constant 0 : i32
    %dma_start3A_1 = tpu.memref_slice %arg2[%add3A, %dma_start3A] : memref<32x100001xf32, #tpu.memory_space<hbm>> -> memref<1x100001xf32, #tpu.memory_space<hbm>>
    %dma_start3A_2 = tpu.memref_squeeze %dma_start3A_1 : memref<1x100001xf32, #tpu.memory_space<hbm>> -> memref<100001xf32, #tpu.memory_space<hbm>>
    %dma_start3A_3 = arith.constant 0 : i32
    %dma_start3A_4 = tpu.memref_slice %arg2[%add3A, %dma_start3A_3] : memref<32x100001xf32, #tpu.memory_space<hbm>> -> memref<1x100001xf32, #tpu.memory_space<hbm>>
    %dma_start3A_5 = tpu.memref_squeeze %dma_start3A_4 : memref<1x100001xf32, #tpu.memory_space<hbm>> -> memref<100001xf32, #tpu.memory_space<hbm>>
    tpu.enqueue_dma source(%dma_start3A_5 : memref<100001xf32, #tpu.memory_space<hbm>>) target(%arg8 : memref<100001xf32, #tpu.memory_space<vmem>>) target_semaphore(%arg12 : memref<!tpu.dma_semaphore, #tpu.memory_space<semaphore_mem>>)
    %eq3A = arith.constant 0 : i32
    %eq3A_6 = arith.cmpi eq, %arg1, %eq3A : i32
    %convert_element_type3A = arith.extui %eq3A_6 : i1 to i32
    %cond3A = arith.constant 0 : i32
    %cond3A_7 = arith.cmpi ne, %convert_element_type3A, %cond3A : i32
    scf.if %cond3A_7 {
      %dma_start3A_188 = arith.constant 0 : i32
      %dma_start3A_189 = arith.constant 0 : i32
      %dma_start3A_190 = tpu.memref_slice %arg11[%dma_start3A_188, %dma_start3A_189] : memref<2x16384xi32, #tpu.memory_space<vmem_shared>> -> memref<1x16384xi32, #tpu.memory_space<vmem_shared>>
      %dma_start3A_191 = tpu.memref_squeeze %dma_start3A_190 : memref<1x16384xi32, #tpu.memory_space<vmem_shared>> -> memref<16384xi32, #tpu.memory_space<vmem_shared>>
      tpu.enqueue_dma source(%arg4 : memref<16384xi32, #tpu.memory_space<hbm>>) target(%dma_start3A_191 : memref<16384xi32, #tpu.memory_space<vmem_shared>>) target_semaphore(%arg13 : memref<!tpu.dma_semaphore, #tpu.memory_space<semaphore_mem>>)
      %dma_start3A_192 = arith.constant 1 : i32
      %dma_start3A_193 = arith.constant 0 : i32
      %dma_start3A_194 = tpu.memref_slice %arg11[%dma_start3A_192, %dma_start3A_193] : memref<2x16384xi32, #tpu.memory_space<vmem_shared>> -> memref<1x16384xi32, #tpu.memory_space<vmem_shared>>
      %dma_start3A_195 = tpu.memref_squeeze %dma_start3A_194 : memref<1x16384xi32, #tpu.memory_space<vmem_shared>> -> memref<16384xi32, #tpu.memory_space<vmem_shared>>
      tpu.enqueue_dma source(%arg5 : memref<16384xi32, #tpu.memory_space<hbm>>) target(%dma_start3A_195 : memref<16384xi32, #tpu.memory_space<vmem_shared>>) target_semaphore(%arg13 : memref<!tpu.dma_semaphore, #tpu.memory_space<semaphore_mem>>)
      %dma_wait3A_196 = arith.constant 0 : i32
      %dma_wait3A_197 = arith.constant 0 : i32
      %dma_wait3A_198 = tpu.memref_slice %arg11[%dma_wait3A_196, %dma_wait3A_197] : memref<2x16384xi32, #tpu.memory_space<vmem_shared>> -> memref<1x16384xi32, #tpu.memory_space<vmem_shared>>
      %dma_wait3A_199 = tpu.memref_squeeze %dma_wait3A_198 : memref<1x16384xi32, #tpu.memory_space<vmem_shared>> -> memref<16384xi32, #tpu.memory_space<vmem_shared>>
      tpu.wait_dma2 semaphore(%arg13 : memref<!tpu.dma_semaphore, #tpu.memory_space<semaphore_mem>>) src(%arg4 : memref<16384xi32, #tpu.memory_space<hbm>>) dst(%dma_wait3A_199 : memref<16384xi32, #tpu.memory_space<vmem_shared>>)
      %dma_wait3A_200 = arith.constant 1 : i32
      %dma_wait3A_201 = arith.constant 0 : i32
      %dma_wait3A_202 = tpu.memref_slice %arg11[%dma_wait3A_200, %dma_wait3A_201] : memref<2x16384xi32, #tpu.memory_space<vmem_shared>> -> memref<1x16384xi32, #tpu.memory_space<vmem_shared>>
      %dma_wait3A_203 = tpu.memref_squeeze %dma_wait3A_202 : memref<1x16384xi32, #tpu.memory_space<vmem_shared>> -> memref<16384xi32, #tpu.memory_space<vmem_shared>>
      tpu.wait_dma2 semaphore(%arg13 : memref<!tpu.dma_semaphore, #tpu.memory_space<semaphore_mem>>) src(%arg5 : memref<16384xi32, #tpu.memory_space<hbm>>) dst(%dma_wait3A_203 : memref<16384xi32, #tpu.memory_space<vmem_shared>>)
    } else {
    }
    %barrier3A = arith.constant 0 : index
    tpu.barrier barrier_id(%barrier3A)
    %dma_start3A_8 = arith.constant 0 : i32
    %dma_start3A_9 = arith.constant 0 : i32
    %dma_start3A_10 = tpu.memref_slice %arg11[%dma_start3A_8, %dma_start3A_9] : memref<2x16384xi32, #tpu.memory_space<vmem_shared>> -> memref<1x16384xi32, #tpu.memory_space<vmem_shared>>
    %dma_start3A_11 = tpu.memref_squeeze %dma_start3A_10 : memref<1x16384xi32, #tpu.memory_space<vmem_shared>> -> memref<16384xi32, #tpu.memory_space<vmem_shared>>
    %dma_start3A_12 = arith.constant 0 : i32
    %dma_start3A_13 = tpu.memref_slice %arg11[%dma_start3A_8, %dma_start3A_12] : memref<2x16384xi32, #tpu.memory_space<vmem_shared>> -> memref<1x16384xi32, #tpu.memory_space<vmem_shared>>
    %dma_start3A_14 = tpu.memref_squeeze %dma_start3A_13 : memref<1x16384xi32, #tpu.memory_space<vmem_shared>> -> memref<16384xi32, #tpu.memory_space<vmem_shared>>
    tpu.enqueue_dma source(%dma_start3A_14 : memref<16384xi32, #tpu.memory_space<vmem_shared>>) target(%arg7 : memref<16384xi32, #tpu.memory_space<vmem>>) target_semaphore(%arg13 : memref<!tpu.dma_semaphore, #tpu.memory_space<semaphore_mem>>)
    %dma_wait3A = arith.constant 0 : i32
    %dma_wait3A_15 = tpu.memref_slice %arg2[%add3A, %dma_wait3A] : memref<32x100001xf32, #tpu.memory_space<hbm>> -> memref<1x100001xf32, #tpu.memory_space<hbm>>
    %dma_wait3A_16 = tpu.memref_squeeze %dma_wait3A_15 : memref<1x100001xf32, #tpu.memory_space<hbm>> -> memref<100001xf32, #tpu.memory_space<hbm>>
    %dma_wait3A_17 = arith.constant 0 : i32
    %dma_wait3A_18 = tpu.memref_slice %arg2[%add3A, %dma_wait3A_17] : memref<32x100001xf32, #tpu.memory_space<hbm>> -> memref<1x100001xf32, #tpu.memory_space<hbm>>
    %dma_wait3A_19 = tpu.memref_squeeze %dma_wait3A_18 : memref<1x100001xf32, #tpu.memory_space<hbm>> -> memref<100001xf32, #tpu.memory_space<hbm>>
    tpu.wait_dma2 semaphore(%arg12 : memref<!tpu.dma_semaphore, #tpu.memory_space<semaphore_mem>>) src(%dma_wait3A_19 : memref<100001xf32, #tpu.memory_space<hbm>>) dst(%arg8 : memref<100001xf32, #tpu.memory_space<vmem>>)
    %dma_wait3A_20 = arith.constant 0 : i32
    %dma_wait3A_21 = arith.constant 0 : i32
    %dma_wait3A_22 = tpu.memref_slice %arg11[%dma_wait3A_20, %dma_wait3A_21] : memref<2x16384xi32, #tpu.memory_space<vmem_shared>> -> memref<1x16384xi32, #tpu.memory_space<vmem_shared>>
    %dma_wait3A_23 = tpu.memref_squeeze %dma_wait3A_22 : memref<1x16384xi32, #tpu.memory_space<vmem_shared>> -> memref<16384xi32, #tpu.memory_space<vmem_shared>>
    %dma_wait3A_24 = arith.constant 0 : i32
    %dma_wait3A_25 = tpu.memref_slice %arg11[%dma_wait3A_20, %dma_wait3A_24] : memref<2x16384xi32, #tpu.memory_space<vmem_shared>> -> memref<1x16384xi32, #tpu.memory_space<vmem_shared>>
    %dma_wait3A_26 = tpu.memref_squeeze %dma_wait3A_25 : memref<1x16384xi32, #tpu.memory_space<vmem_shared>> -> memref<16384xi32, #tpu.memory_space<vmem_shared>>
    tpu.wait_dma2 semaphore(%arg13 : memref<!tpu.dma_semaphore, #tpu.memory_space<semaphore_mem>>) src(%dma_wait3A_26 : memref<16384xi32, #tpu.memory_space<vmem_shared>>) dst(%arg7 : memref<16384xi32, #tpu.memory_space<vmem>>)
    %parallel_loop3A = arith.constant 0 : i32
    %parallel_loop3A_27 = arith.constant 4096 : i32
    %parallel_loop3A_28 = arith.constant 16 : i32
    scf.for %parallel_loop3A_188 = %parallel_loop3A to %parallel_loop3A_27 step %parallel_loop3A_28  : i32 {
      %parallel_loop3A_189 = arith.index_cast %parallel_loop3A_188 : i32 to index
      %parallel_loop3A_190 = tpu.vector_load %arg7[%parallel_loop3A_189] {strides = array<i32>} : memref<16384xi32, #tpu.memory_space<vmem>>, vector<16xi32>,
      %parallel_loop3A_191 = tpu.vector_load_idx %arg8[%parallel_loop3A_190] : memref<100001xf32, #tpu.memory_space<vmem>>[vector<16xi32>], vector<16xf32>,
      %parallel_loop3A_192 = arith.constant 0 : i32
      %parallel_loop3A_193 = arith.subi %parallel_loop3A_188, %parallel_loop3A_192 : i32
      %parallel_loop3A_194 = arith.index_cast %parallel_loop3A_193 : i32 to index
      %parallel_loop3A_195 = tpu.vector_load %arg9[%parallel_loop3A_194] {strides = array<i32>} : memref<4096xf32, #tpu.memory_space<vmem>>, vector<16xf32>,
      tpu.vector_store %arg9[%parallel_loop3A_194], %parallel_loop3A_191 {strides = array<i32>} : memref<4096xf32, #tpu.memory_space<vmem>>, vector<16xf32>,
    } {sc.loop_unroll_factor = 8 : i64, sc.parallel_access}
    %add3A_29 = arith.constant 0 : i32
    %add3A_30 = arith.addi %add3A_29, %add3A : i32
    %dma_start3A_31 = arith.constant 0 : i32
    %dma_start3A_32 = tpu.memref_slice %arg6[%add3A_30, %dma_start3A_31] : memref<64x16384xf32, #tpu.memory_space<hbm>> -> memref<1x4096xf32, #tpu.memory_space<hbm>>
    %dma_start3A_33 = tpu.memref_squeeze %dma_start3A_32 : memref<1x4096xf32, #tpu.memory_space<hbm>> -> memref<4096xf32, #tpu.memory_space<hbm>>
    %dma_start3A_34 = arith.constant 0 : i32
    %dma_start3A_35 = tpu.memref_slice %arg6[%add3A_30, %dma_start3A_34] : memref<64x16384xf32, #tpu.memory_space<hbm>> -> memref<1x4096xf32, #tpu.memory_space<hbm>>
    %dma_start3A_36 = tpu.memref_squeeze %dma_start3A_35 : memref<1x4096xf32, #tpu.memory_space<hbm>> -> memref<4096xf32, #tpu.memory_space<hbm>>
    tpu.enqueue_dma source(%arg9 : memref<4096xf32, #tpu.memory_space<vmem>>) target(%dma_start3A_36 : memref<4096xf32, #tpu.memory_space<hbm>>) target_semaphore(%arg14 : memref<!tpu.dma_semaphore, #tpu.memory_space<semaphore_mem>>)
    %parallel_loop3A_37 = arith.constant 4096 : i32
    %parallel_loop3A_38 = arith.constant 8192 : i32
    %parallel_loop3A_39 = arith.constant 16 : i32
    scf.for %parallel_loop3A_188 = %parallel_loop3A_37 to %parallel_loop3A_38 step %parallel_loop3A_39  : i32 {
      %parallel_loop3A_189 = arith.index_cast %parallel_loop3A_188 : i32 to index
      %parallel_loop3A_190 = tpu.vector_load %arg7[%parallel_loop3A_189] {strides = array<i32>} : memref<16384xi32, #tpu.memory_space<vmem>>, vector<16xi32>,
      %parallel_loop3A_191 = tpu.vector_load_idx %arg8[%parallel_loop3A_190] : memref<100001xf32, #tpu.memory_space<vmem>>[vector<16xi32>], vector<16xf32>,
      %parallel_loop3A_192 = arith.constant 4096 : i32
      %parallel_loop3A_193 = arith.subi %parallel_loop3A_188, %parallel_loop3A_192 : i32
      %parallel_loop3A_194 = arith.index_cast %parallel_loop3A_193 : i32 to index
      %parallel_loop3A_195 = tpu.vector_load %arg10[%parallel_loop3A_194] {strides = array<i32>} : memref<4096xf32, #tpu.memory_space<vmem>>, vector<16xf32>,
      tpu.vector_store %arg10[%parallel_loop3A_194], %parallel_loop3A_191 {strides = array<i32>} : memref<4096xf32, #tpu.memory_space<vmem>>, vector<16xf32>,
    } {sc.loop_unroll_factor = 8 : i64, sc.parallel_access}
    %add3A_40 = arith.constant 0 : i32
    %add3A_41 = arith.addi %add3A_40, %add3A : i32
    %dma_start3A_42 = arith.constant 4096 : i32
    %dma_start3A_43 = tpu.memref_slice %arg6[%add3A_41, %dma_start3A_42] : memref<64x16384xf32, #tpu.memory_space<hbm>> -> memref<1x4096xf32, #tpu.memory_space<hbm>>
    %dma_start3A_44 = tpu.memref_squeeze %dma_start3A_43 : memref<1x4096xf32, #tpu.memory_space<hbm>> -> memref<4096xf32, #tpu.memory_space<hbm>>
    %dma_start3A_45 = arith.constant 4096 : i32
    %dma_start3A_46 = tpu.memref_slice %arg6[%add3A_41, %dma_start3A_45] : memref<64x16384xf32, #tpu.memory_space<hbm>> -> memref<1x4096xf32, #tpu.memory_space<hbm>>
    %dma_start3A_47 = tpu.memref_squeeze %dma_start3A_46 : memref<1x4096xf32, #tpu.memory_space<hbm>> -> memref<4096xf32, #tpu.memory_space<hbm>>
    tpu.enqueue_dma source(%arg10 : memref<4096xf32, #tpu.memory_space<vmem>>) target(%dma_start3A_47 : memref<4096xf32, #tpu.memory_space<hbm>>) target_semaphore(%arg15 : memref<!tpu.dma_semaphore, #tpu.memory_space<semaphore_mem>>)
    %dma_wait3A_48 = arith.constant 0 : i32
    %dma_wait3A_49 = tpu.memref_slice %arg6[%add3A_30, %dma_wait3A_48] : memref<64x16384xf32, #tpu.memory_space<hbm>> -> memref<1x4096xf32, #tpu.memory_space<hbm>>
    %dma_wait3A_50 = tpu.memref_squeeze %dma_wait3A_49 : memref<1x4096xf32, #tpu.memory_space<hbm>> -> memref<4096xf32, #tpu.memory_space<hbm>>
    %dma_wait3A_51 = arith.constant 0 : i32
    %dma_wait3A_52 = tpu.memref_slice %arg6[%add3A_30, %dma_wait3A_51] : memref<64x16384xf32, #tpu.memory_space<hbm>> -> memref<1x4096xf32, #tpu.memory_space<hbm>>
    %dma_wait3A_53 = tpu.memref_squeeze %dma_wait3A_52 : memref<1x4096xf32, #tpu.memory_space<hbm>> -> memref<4096xf32, #tpu.memory_space<hbm>>
    tpu.wait_dma2 semaphore(%arg14 : memref<!tpu.dma_semaphore, #tpu.memory_space<semaphore_mem>>) src(%arg9 : memref<4096xf32, #tpu.memory_space<vmem>>) dst(%dma_wait3A_53 : memref<4096xf32, #tpu.memory_space<hbm>>)
    %parallel_loop3A_54 = arith.constant 8192 : i32
    %parallel_loop3A_55 = arith.constant 12288 : i32
    %parallel_loop3A_56 = arith.constant 16 : i32
    scf.for %parallel_loop3A_188 = %parallel_loop3A_54 to %parallel_loop3A_55 step %parallel_loop3A_56  : i32 {
      %parallel_loop3A_189 = arith.index_cast %parallel_loop3A_188 : i32 to index
      %parallel_loop3A_190 = tpu.vector_load %arg7[%parallel_loop3A_189] {strides = array<i32>} : memref<16384xi32, #tpu.memory_space<vmem>>, vector<16xi32>,
      %parallel_loop3A_191 = tpu.vector_load_idx %arg8[%parallel_loop3A_190] : memref<100001xf32, #tpu.memory_space<vmem>>[vector<16xi32>], vector<16xf32>,
      %parallel_loop3A_192 = arith.constant 8192 : i32
      %parallel_loop3A_193 = arith.subi %parallel_loop3A_188, %parallel_loop3A_192 : i32
      %parallel_loop3A_194 = arith.index_cast %parallel_loop3A_193 : i32 to index
      %parallel_loop3A_195 = tpu.vector_load %arg9[%parallel_loop3A_194] {strides = array<i32>} : memref<4096xf32, #tpu.memory_space<vmem>>, vector<16xf32>,
      tpu.vector_store %arg9[%parallel_loop3A_194], %parallel_loop3A_191 {strides = array<i32>} : memref<4096xf32, #tpu.memory_space<vmem>>, vector<16xf32>,
    } {sc.loop_unroll_factor = 8 : i64, sc.parallel_access}
    %add3A_57 = arith.constant 0 : i32
    %add3A_58 = arith.addi %add3A_57, %add3A : i32
    %dma_start3A_59 = arith.constant 8192 : i32
    %dma_start3A_60 = tpu.memref_slice %arg6[%add3A_58, %dma_start3A_59] : memref<64x16384xf32, #tpu.memory_space<hbm>> -> memref<1x4096xf32, #tpu.memory_space<hbm>>
    %dma_start3A_61 = tpu.memref_squeeze %dma_start3A_60 : memref<1x4096xf32, #tpu.memory_space<hbm>> -> memref<4096xf32, #tpu.memory_space<hbm>>
    %dma_start3A_62 = arith.constant 8192 : i32
    %dma_start3A_63 = tpu.memref_slice %arg6[%add3A_58, %dma_start3A_62] : memref<64x16384xf32, #tpu.memory_space<hbm>> -> memref<1x4096xf32, #tpu.memory_space<hbm>>
    %dma_start3A_64 = tpu.memref_squeeze %dma_start3A_63 : memref<1x4096xf32, #tpu.memory_space<hbm>> -> memref<4096xf32, #tpu.memory_space<hbm>>
    tpu.enqueue_dma source(%arg9 : memref<4096xf32, #tpu.memory_space<vmem>>) target(%dma_start3A_64 : memref<4096xf32, #tpu.memory_space<hbm>>) target_semaphore(%arg14 : memref<!tpu.dma_semaphore, #tpu.memory_space<semaphore_mem>>)
    %dma_wait3A_65 = arith.constant 4096 : i32
    %dma_wait3A_66 = tpu.memref_slice %arg6[%add3A_41, %dma_wait3A_65] : memref<64x16384xf32, #tpu.memory_space<hbm>> -> memref<1x4096xf32, #tpu.memory_space<hbm>>
    %dma_wait3A_67 = tpu.memref_squeeze %dma_wait3A_66 : memref<1x4096xf32, #tpu.memory_space<hbm>> -> memref<4096xf32, #tpu.memory_space<hbm>>
    %dma_wait3A_68 = arith.constant 4096 : i32
    %dma_wait3A_69 = tpu.memref_slice %arg6[%add3A_41, %dma_wait3A_68] : memref<64x16384xf32, #tpu.memory_space<hbm>> -> memref<1x4096xf32, #tpu.memory_space<hbm>>
    %dma_wait3A_70 = tpu.memref_squeeze %dma_wait3A_69 : memref<1x4096xf32, #tpu.memory_space<hbm>> -> memref<4096xf32, #tpu.memory_space<hbm>>
    tpu.wait_dma2 semaphore(%arg15 : memref<!tpu.dma_semaphore, #tpu.memory_space<semaphore_mem>>) src(%arg10 : memref<4096xf32, #tpu.memory_space<vmem>>) dst(%dma_wait3A_70 : memref<4096xf32, #tpu.memory_space<hbm>>)
    %parallel_loop3A_71 = arith.constant 12288 : i32
    %parallel_loop3A_72 = arith.constant 16384 : i32
    %parallel_loop3A_73 = arith.constant 16 : i32
    scf.for %parallel_loop3A_188 = %parallel_loop3A_71 to %parallel_loop3A_72 step %parallel_loop3A_73  : i32 {
      %parallel_loop3A_189 = arith.index_cast %parallel_loop3A_188 : i32 to index
      %parallel_loop3A_190 = tpu.vector_load %arg7[%parallel_loop3A_189] {strides = array<i32>} : memref<16384xi32, #tpu.memory_space<vmem>>, vector<16xi32>,
      %parallel_loop3A_191 = tpu.vector_load_idx %arg8[%parallel_loop3A_190] : memref<100001xf32, #tpu.memory_space<vmem>>[vector<16xi32>], vector<16xf32>,
      %parallel_loop3A_192 = arith.constant 12288 : i32
      %parallel_loop3A_193 = arith.subi %parallel_loop3A_188, %parallel_loop3A_192 : i32
      %parallel_loop3A_194 = arith.index_cast %parallel_loop3A_193 : i32 to index
      %parallel_loop3A_195 = tpu.vector_load %arg10[%parallel_loop3A_194] {strides = array<i32>} : memref<4096xf32, #tpu.memory_space<vmem>>, vector<16xf32>,
      tpu.vector_store %arg10[%parallel_loop3A_194], %parallel_loop3A_191 {strides = array<i32>} : memref<4096xf32, #tpu.memory_space<vmem>>, vector<16xf32>,
    } {sc.loop_unroll_factor = 8 : i64, sc.parallel_access}
    %add3A_74 = arith.constant 0 : i32
    %add3A_75 = arith.addi %add3A_74, %add3A : i32
    %dma_start3A_76 = arith.constant 12288 : i32
    %dma_start3A_77 = tpu.memref_slice %arg6[%add3A_75, %dma_start3A_76] : memref<64x16384xf32, #tpu.memory_space<hbm>> -> memref<1x4096xf32, #tpu.memory_space<hbm>>
    %dma_start3A_78 = tpu.memref_squeeze %dma_start3A_77 : memref<1x4096xf32, #tpu.memory_space<hbm>> -> memref<4096xf32, #tpu.memory_space<hbm>>
    %dma_start3A_79 = arith.constant 12288 : i32
    %dma_start3A_80 = tpu.memref_slice %arg6[%add3A_75, %dma_start3A_79] : memref<64x16384xf32, #tpu.memory_space<hbm>> -> memref<1x4096xf32, #tpu.memory_space<hbm>>
    %dma_start3A_81 = tpu.memref_squeeze %dma_start3A_80 : memref<1x4096xf32, #tpu.memory_space<hbm>> -> memref<4096xf32, #tpu.memory_space<hbm>>
    tpu.enqueue_dma source(%arg10 : memref<4096xf32, #tpu.memory_space<vmem>>) target(%dma_start3A_81 : memref<4096xf32, #tpu.memory_space<hbm>>) target_semaphore(%arg15 : memref<!tpu.dma_semaphore, #tpu.memory_space<semaphore_mem>>)
    %dma_start3A_82 = arith.constant 0 : i32
    %dma_start3A_83 = tpu.memref_slice %arg3[%add3A, %dma_start3A_82] : memref<32x100001xf32, #tpu.memory_space<hbm>> -> memref<1x100001xf32, #tpu.memory_space<hbm>>
    %dma_start3A_84 = tpu.memref_squeeze %dma_start3A_83 : memref<1x100001xf32, #tpu.memory_space<hbm>> -> memref<100001xf32, #tpu.memory_space<hbm>>
    %dma_start3A_85 = arith.constant 0 : i32
    %dma_start3A_86 = tpu.memref_slice %arg3[%add3A, %dma_start3A_85] : memref<32x100001xf32, #tpu.memory_space<hbm>> -> memref<1x100001xf32, #tpu.memory_space<hbm>>
    %dma_start3A_87 = tpu.memref_squeeze %dma_start3A_86 : memref<1x100001xf32, #tpu.memory_space<hbm>> -> memref<100001xf32, #tpu.memory_space<hbm>>
    tpu.enqueue_dma source(%dma_start3A_87 : memref<100001xf32, #tpu.memory_space<hbm>>) target(%arg8 : memref<100001xf32, #tpu.memory_space<vmem>>) target_semaphore(%arg12 : memref<!tpu.dma_semaphore, #tpu.memory_space<semaphore_mem>>)
    %dma_start3A_88 = arith.constant 1 : i32
    %dma_start3A_89 = arith.constant 0 : i32
    %dma_start3A_90 = tpu.memref_slice %arg11[%dma_start3A_88, %dma_start3A_89] : memref<2x16384xi32, #tpu.memory_space<vmem_shared>> -> memref<1x16384xi32, #tpu.memory_space<vmem_shared>>
    %dma_start3A_91 = tpu.memref_squeeze %dma_start3A_90 : memref<1x16384xi32, #tpu.memory_space<vmem_shared>> -> memref<16384xi32, #tpu.memory_space<vmem_shared>>
    %dma_start3A_92 = arith.constant 0 : i32
    %dma_start3A_93 = tpu.memref_slice %arg11[%dma_start3A_88, %dma_start3A_92] : memref<2x16384xi32, #tpu.memory_space<vmem_shared>> -> memref<1x16384xi32, #tpu.memory_space<vmem_shared>>
    %dma_start3A_94 = tpu.memref_squeeze %dma_start3A_93 : memref<1x16384xi32, #tpu.memory_space<vmem_shared>> -> memref<16384xi32, #tpu.memory_space<vmem_shared>>
    tpu.enqueue_dma source(%dma_start3A_94 : memref<16384xi32, #tpu.memory_space<vmem_shared>>) target(%arg7 : memref<16384xi32, #tpu.memory_space<vmem>>) target_semaphore(%arg13 : memref<!tpu.dma_semaphore, #tpu.memory_space<semaphore_mem>>)
    %dma_wait3A_95 = arith.constant 0 : i32
    %dma_wait3A_96 = tpu.memref_slice %arg3[%add3A, %dma_wait3A_95] : memref<32x100001xf32, #tpu.memory_space<hbm>> -> memref<1x100001xf32, #tpu.memory_space<hbm>>
    %dma_wait3A_97 = tpu.memref_squeeze %dma_wait3A_96 : memref<1x100001xf32, #tpu.memory_space<hbm>> -> memref<100001xf32, #tpu.memory_space<hbm>>
    %dma_wait3A_98 = arith.constant 0 : i32
    %dma_wait3A_99 = tpu.memref_slice %arg3[%add3A, %dma_wait3A_98] : memref<32x100001xf32, #tpu.memory_space<hbm>> -> memref<1x100001xf32, #tpu.memory_space<hbm>>
    %dma_wait3A_100 = tpu.memref_squeeze %dma_wait3A_99 : memref<1x100001xf32, #tpu.memory_space<hbm>> -> memref<100001xf32, #tpu.memory_space<hbm>>
    tpu.wait_dma2 semaphore(%arg12 : memref<!tpu.dma_semaphore, #tpu.memory_space<semaphore_mem>>) src(%dma_wait3A_100 : memref<100001xf32, #tpu.memory_space<hbm>>) dst(%arg8 : memref<100001xf32, #tpu.memory_space<vmem>>)
    %dma_wait3A_101 = arith.constant 1 : i32
    %dma_wait3A_102 = arith.constant 0 : i32
    %dma_wait3A_103 = tpu.memref_slice %arg11[%dma_wait3A_101, %dma_wait3A_102] : memref<2x16384xi32, #tpu.memory_space<vmem_shared>> -> memref<1x16384xi32, #tpu.memory_space<vmem_shared>>
    %dma_wait3A_104 = tpu.memref_squeeze %dma_wait3A_103 : memref<1x16384xi32, #tpu.memory_space<vmem_shared>> -> memref<16384xi32, #tpu.memory_space<vmem_shared>>
    %dma_wait3A_105 = arith.constant 0 : i32
    %dma_wait3A_106 = tpu.memref_slice %arg11[%dma_wait3A_101, %dma_wait3A_105] : memref<2x16384xi32, #tpu.memory_space<vmem_shared>> -> memref<1x16384xi32, #tpu.memory_space<vmem_shared>>
    %dma_wait3A_107 = tpu.memref_squeeze %dma_wait3A_106 : memref<1x16384xi32, #tpu.memory_space<vmem_shared>> -> memref<16384xi32, #tpu.memory_space<vmem_shared>>
    tpu.wait_dma2 semaphore(%arg13 : memref<!tpu.dma_semaphore, #tpu.memory_space<semaphore_mem>>) src(%dma_wait3A_107 : memref<16384xi32, #tpu.memory_space<vmem_shared>>) dst(%arg7 : memref<16384xi32, #tpu.memory_space<vmem>>)
    %dma_wait3A_108 = arith.constant 8192 : i32
    %dma_wait3A_109 = tpu.memref_slice %arg6[%add3A_58, %dma_wait3A_108] : memref<64x16384xf32, #tpu.memory_space<hbm>> -> memref<1x4096xf32, #tpu.memory_space<hbm>>
    %dma_wait3A_110 = tpu.memref_squeeze %dma_wait3A_109 : memref<1x4096xf32, #tpu.memory_space<hbm>> -> memref<4096xf32, #tpu.memory_space<hbm>>
    %dma_wait3A_111 = arith.constant 8192 : i32
    %dma_wait3A_112 = tpu.memref_slice %arg6[%add3A_58, %dma_wait3A_111] : memref<64x16384xf32, #tpu.memory_space<hbm>> -> memref<1x4096xf32, #tpu.memory_space<hbm>>
    %dma_wait3A_113 = tpu.memref_squeeze %dma_wait3A_112 : memref<1x4096xf32, #tpu.memory_space<hbm>> -> memref<4096xf32, #tpu.memory_space<hbm>>
    tpu.wait_dma2 semaphore(%arg14 : memref<!tpu.dma_semaphore, #tpu.memory_space<semaphore_mem>>) src(%arg9 : memref<4096xf32, #tpu.memory_space<vmem>>) dst(%dma_wait3A_113 : memref<4096xf32, #tpu.memory_space<hbm>>)
    %parallel_loop3A_114 = arith.constant 0 : i32
    %parallel_loop3A_115 = arith.constant 4096 : i32
    %parallel_loop3A_116 = arith.constant 16 : i32
    scf.for %parallel_loop3A_188 = %parallel_loop3A_114 to %parallel_loop3A_115 step %parallel_loop3A_116  : i32 {
      %parallel_loop3A_189 = arith.index_cast %parallel_loop3A_188 : i32 to index
      %parallel_loop3A_190 = tpu.vector_load %arg7[%parallel_loop3A_189] {strides = array<i32>} : memref<16384xi32, #tpu.memory_space<vmem>>, vector<16xi32>,
      %parallel_loop3A_191 = tpu.vector_load_idx %arg8[%parallel_loop3A_190] : memref<100001xf32, #tpu.memory_space<vmem>>[vector<16xi32>], vector<16xf32>,
      %parallel_loop3A_192 = arith.constant 0 : i32
      %parallel_loop3A_193 = arith.subi %parallel_loop3A_188, %parallel_loop3A_192 : i32
      %parallel_loop3A_194 = arith.index_cast %parallel_loop3A_193 : i32 to index
      %parallel_loop3A_195 = tpu.vector_load %arg9[%parallel_loop3A_194] {strides = array<i32>} : memref<4096xf32, #tpu.memory_space<vmem>>, vector<16xf32>,
      tpu.vector_store %arg9[%parallel_loop3A_194], %parallel_loop3A_191 {strides = array<i32>} : memref<4096xf32, #tpu.memory_space<vmem>>, vector<16xf32>,
    } {sc.loop_unroll_factor = 8 : i64, sc.parallel_access}
    %add3A_117 = arith.constant 32 : i32
    %add3A_118 = arith.addi %add3A_117, %add3A : i32
    %dma_start3A_119 = arith.constant 0 : i32
    %dma_start3A_120 = tpu.memref_slice %arg6[%add3A_118, %dma_start3A_119] : memref<64x16384xf32, #tpu.memory_space<hbm>> -> memref<1x4096xf32, #tpu.memory_space<hbm>>
    %dma_start3A_121 = tpu.memref_squeeze %dma_start3A_120 : memref<1x4096xf32, #tpu.memory_space<hbm>> -> memref<4096xf32, #tpu.memory_space<hbm>>
    %dma_start3A_122 = arith.constant 0 : i32
    %dma_start3A_123 = tpu.memref_slice %arg6[%add3A_118, %dma_start3A_122] : memref<64x16384xf32, #tpu.memory_space<hbm>> -> memref<1x4096xf32, #tpu.memory_space<hbm>>
    %dma_start3A_124 = tpu.memref_squeeze %dma_start3A_123 : memref<1x4096xf32, #tpu.memory_space<hbm>> -> memref<4096xf32, #tpu.memory_space<hbm>>
    tpu.enqueue_dma source(%arg9 : memref<4096xf32, #tpu.memory_space<vmem>>) target(%dma_start3A_124 : memref<4096xf32, #tpu.memory_space<hbm>>) target_semaphore(%arg14 : memref<!tpu.dma_semaphore, #tpu.memory_space<semaphore_mem>>)
    %dma_wait3A_125 = arith.constant 12288 : i32
    %dma_wait3A_126 = tpu.memref_slice %arg6[%add3A_75, %dma_wait3A_125] : memref<64x16384xf32, #tpu.memory_space<hbm>> -> memref<1x4096xf32, #tpu.memory_space<hbm>>
    %dma_wait3A_127 = tpu.memref_squeeze %dma_wait3A_126 : memref<1x4096xf32, #tpu.memory_space<hbm>> -> memref<4096xf32, #tpu.memory_space<hbm>>
    %dma_wait3A_128 = arith.constant 12288 : i32
    %dma_wait3A_129 = tpu.memref_slice %arg6[%add3A_75, %dma_wait3A_128] : memref<64x16384xf32, #tpu.memory_space<hbm>> -> memref<1x4096xf32, #tpu.memory_space<hbm>>
    %dma_wait3A_130 = tpu.memref_squeeze %dma_wait3A_129 : memref<1x4096xf32, #tpu.memory_space<hbm>> -> memref<4096xf32, #tpu.memory_space<hbm>>
    tpu.wait_dma2 semaphore(%arg15 : memref<!tpu.dma_semaphore, #tpu.memory_space<semaphore_mem>>) src(%arg10 : memref<4096xf32, #tpu.memory_space<vmem>>) dst(%dma_wait3A_130 : memref<4096xf32, #tpu.memory_space<hbm>>)
    %parallel_loop3A_131 = arith.constant 4096 : i32
    %parallel_loop3A_132 = arith.constant 8192 : i32
    %parallel_loop3A_133 = arith.constant 16 : i32
    scf.for %parallel_loop3A_188 = %parallel_loop3A_131 to %parallel_loop3A_132 step %parallel_loop3A_133  : i32 {
      %parallel_loop3A_189 = arith.index_cast %parallel_loop3A_188 : i32 to index
      %parallel_loop3A_190 = tpu.vector_load %arg7[%parallel_loop3A_189] {strides = array<i32>} : memref<16384xi32, #tpu.memory_space<vmem>>, vector<16xi32>,
      %parallel_loop3A_191 = tpu.vector_load_idx %arg8[%parallel_loop3A_190] : memref<100001xf32, #tpu.memory_space<vmem>>[vector<16xi32>], vector<16xf32>,
      %parallel_loop3A_192 = arith.constant 4096 : i32
      %parallel_loop3A_193 = arith.subi %parallel_loop3A_188, %parallel_loop3A_192 : i32
      %parallel_loop3A_194 = arith.index_cast %parallel_loop3A_193 : i32 to index
      %parallel_loop3A_195 = tpu.vector_load %arg10[%parallel_loop3A_194] {strides = array<i32>} : memref<4096xf32, #tpu.memory_space<vmem>>, vector<16xf32>,
      tpu.vector_store %arg10[%parallel_loop3A_194], %parallel_loop3A_191 {strides = array<i32>} : memref<4096xf32, #tpu.memory_space<vmem>>, vector<16xf32>,
    } {sc.loop_unroll_factor = 8 : i64, sc.parallel_access}
    %add3A_134 = arith.constant 32 : i32
    %add3A_135 = arith.addi %add3A_134, %add3A : i32
    %dma_start3A_136 = arith.constant 4096 : i32
    %dma_start3A_137 = tpu.memref_slice %arg6[%add3A_135, %dma_start3A_136] : memref<64x16384xf32, #tpu.memory_space<hbm>> -> memref<1x4096xf32, #tpu.memory_space<hbm>>
    %dma_start3A_138 = tpu.memref_squeeze %dma_start3A_137 : memref<1x4096xf32, #tpu.memory_space<hbm>> -> memref<4096xf32, #tpu.memory_space<hbm>>
    %dma_start3A_139 = arith.constant 4096 : i32
    %dma_start3A_140 = tpu.memref_slice %arg6[%add3A_135, %dma_start3A_139] : memref<64x16384xf32, #tpu.memory_space<hbm>> -> memref<1x4096xf32, #tpu.memory_space<hbm>>
    %dma_start3A_141 = tpu.memref_squeeze %dma_start3A_140 : memref<1x4096xf32, #tpu.memory_space<hbm>> -> memref<4096xf32, #tpu.memory_space<hbm>>
    tpu.enqueue_dma source(%arg10 : memref<4096xf32, #tpu.memory_space<vmem>>) target(%dma_start3A_141 : memref<4096xf32, #tpu.memory_space<hbm>>) target_semaphore(%arg15 : memref<!tpu.dma_semaphore, #tpu.memory_space<semaphore_mem>>)
    %dma_wait3A_142 = arith.constant 0 : i32
    %dma_wait3A_143 = tpu.memref_slice %arg6[%add3A_118, %dma_wait3A_142] : memref<64x16384xf32, #tpu.memory_space<hbm>> -> memref<1x4096xf32, #tpu.memory_space<hbm>>
    %dma_wait3A_144 = tpu.memref_squeeze %dma_wait3A_143 : memref<1x4096xf32, #tpu.memory_space<hbm>> -> memref<4096xf32, #tpu.memory_space<hbm>>
    %dma_wait3A_145 = arith.constant 0 : i32
    %dma_wait3A_146 = tpu.memref_slice %arg6[%add3A_118, %dma_wait3A_145] : memref<64x16384xf32, #tpu.memory_space<hbm>> -> memref<1x4096xf32, #tpu.memory_space<hbm>>
    %dma_wait3A_147 = tpu.memref_squeeze %dma_wait3A_146 : memref<1x4096xf32, #tpu.memory_space<hbm>> -> memref<4096xf32, #tpu.memory_space<hbm>>
    tpu.wait_dma2 semaphore(%arg14 : memref<!tpu.dma_semaphore, #tpu.memory_space<semaphore_mem>>) src(%arg9 : memref<4096xf32, #tpu.memory_space<vmem>>) dst(%dma_wait3A_147 : memref<4096xf32, #tpu.memory_space<hbm>>)
    %parallel_loop3A_148 = arith.constant 8192 : i32
    %parallel_loop3A_149 = arith.constant 12288 : i32
    %parallel_loop3A_150 = arith.constant 16 : i32
    scf.for %parallel_loop3A_188 = %parallel_loop3A_148 to %parallel_loop3A_149 step %parallel_loop3A_150  : i32 {
      %parallel_loop3A_189 = arith.index_cast %parallel_loop3A_188 : i32 to index
      %parallel_loop3A_190 = tpu.vector_load %arg7[%parallel_loop3A_189] {strides = array<i32>} : memref<16384xi32, #tpu.memory_space<vmem>>, vector<16xi32>,
      %parallel_loop3A_191 = tpu.vector_load_idx %arg8[%parallel_loop3A_190] : memref<100001xf32, #tpu.memory_space<vmem>>[vector<16xi32>], vector<16xf32>,
      %parallel_loop3A_192 = arith.constant 8192 : i32
      %parallel_loop3A_193 = arith.subi %parallel_loop3A_188, %parallel_loop3A_192 : i32
      %parallel_loop3A_194 = arith.index_cast %parallel_loop3A_193 : i32 to index
      %parallel_loop3A_195 = tpu.vector_load %arg9[%parallel_loop3A_194] {strides = array<i32>} : memref<4096xf32, #tpu.memory_space<vmem>>, vector<16xf32>,
      tpu.vector_store %arg9[%parallel_loop3A_194], %parallel_loop3A_191 {strides = array<i32>} : memref<4096xf32, #tpu.memory_space<vmem>>, vector<16xf32>,
    } {sc.loop_unroll_factor = 8 : i64, sc.parallel_access}
    %add3A_151 = arith.constant 32 : i32
    %add3A_152 = arith.addi %add3A_151, %add3A : i32
    %dma_start3A_153 = arith.constant 8192 : i32
    %dma_start3A_154 = tpu.memref_slice %arg6[%add3A_152, %dma_start3A_153] : memref<64x16384xf32, #tpu.memory_space<hbm>> -> memref<1x4096xf32, #tpu.memory_space<hbm>>
    %dma_start3A_155 = tpu.memref_squeeze %dma_start3A_154 : memref<1x4096xf32, #tpu.memory_space<hbm>> -> memref<4096xf32, #tpu.memory_space<hbm>>
    %dma_start3A_156 = arith.constant 8192 : i32
    %dma_start3A_157 = tpu.memref_slice %arg6[%add3A_152, %dma_start3A_156] : memref<64x16384xf32, #tpu.memory_space<hbm>> -> memref<1x4096xf32, #tpu.memory_space<hbm>>
    %dma_start3A_158 = tpu.memref_squeeze %dma_start3A_157 : memref<1x4096xf32, #tpu.memory_space<hbm>> -> memref<4096xf32, #tpu.memory_space<hbm>>
    tpu.enqueue_dma source(%arg9 : memref<4096xf32, #tpu.memory_space<vmem>>) target(%dma_start3A_158 : memref<4096xf32, #tpu.memory_space<hbm>>) target_semaphore(%arg14 : memref<!tpu.dma_semaphore, #tpu.memory_space<semaphore_mem>>)
    %dma_wait3A_159 = arith.constant 4096 : i32
    %dma_wait3A_160 = tpu.memref_slice %arg6[%add3A_135, %dma_wait3A_159] : memref<64x16384xf32, #tpu.memory_space<hbm>> -> memref<1x4096xf32, #tpu.memory_space<hbm>>
    %dma_wait3A_161 = tpu.memref_squeeze %dma_wait3A_160 : memref<1x4096xf32, #tpu.memory_space<hbm>> -> memref<4096xf32, #tpu.memory_space<hbm>>
    %dma_wait3A_162 = arith.constant 4096 : i32
    %dma_wait3A_163 = tpu.memref_slice %arg6[%add3A_135, %dma_wait3A_162] : memref<64x16384xf32, #tpu.memory_space<hbm>> -> memref<1x4096xf32, #tpu.memory_space<hbm>>
    %dma_wait3A_164 = tpu.memref_squeeze %dma_wait3A_163 : memref<1x4096xf32, #tpu.memory_space<hbm>> -> memref<4096xf32, #tpu.memory_space<hbm>>
    tpu.wait_dma2 semaphore(%arg15 : memref<!tpu.dma_semaphore, #tpu.memory_space<semaphore_mem>>) src(%arg10 : memref<4096xf32, #tpu.memory_space<vmem>>) dst(%dma_wait3A_164 : memref<4096xf32, #tpu.memory_space<hbm>>)
    %parallel_loop3A_165 = arith.constant 12288 : i32
    %parallel_loop3A_166 = arith.constant 16384 : i32
    %parallel_loop3A_167 = arith.constant 16 : i32
    scf.for %parallel_loop3A_188 = %parallel_loop3A_165 to %parallel_loop3A_166 step %parallel_loop3A_167  : i32 {
      %parallel_loop3A_189 = arith.index_cast %parallel_loop3A_188 : i32 to index
      %parallel_loop3A_190 = tpu.vector_load %arg7[%parallel_loop3A_189] {strides = array<i32>} : memref<16384xi32, #tpu.memory_space<vmem>>, vector<16xi32>,
      %parallel_loop3A_191 = tpu.vector_load_idx %arg8[%parallel_loop3A_190] : memref<100001xf32, #tpu.memory_space<vmem>>[vector<16xi32>], vector<16xf32>,
      %parallel_loop3A_192 = arith.constant 12288 : i32
      %parallel_loop3A_193 = arith.subi %parallel_loop3A_188, %parallel_loop3A_192 : i32
      %parallel_loop3A_194 = arith.index_cast %parallel_loop3A_193 : i32 to index
      %parallel_loop3A_195 = tpu.vector_load %arg10[%parallel_loop3A_194] {strides = array<i32>} : memref<4096xf32, #tpu.memory_space<vmem>>, vector<16xf32>,
      tpu.vector_store %arg10[%parallel_loop3A_194], %parallel_loop3A_191 {strides = array<i32>} : memref<4096xf32, #tpu.memory_space<vmem>>, vector<16xf32>,
    } {sc.loop_unroll_factor = 8 : i64, sc.parallel_access}
    %add3A_168 = arith.constant 32 : i32
    %add3A_169 = arith.addi %add3A_168, %add3A : i32
    %dma_start3A_170 = arith.constant 12288 : i32
    %dma_start3A_171 = tpu.memref_slice %arg6[%add3A_169, %dma_start3A_170] : memref<64x16384xf32, #tpu.memory_space<hbm>> -> memref<1x4096xf32, #tpu.memory_space<hbm>>
    %dma_start3A_172 = tpu.memref_squeeze %dma_start3A_171 : memref<1x4096xf32, #tpu.memory_space<hbm>> -> memref<4096xf32, #tpu.memory_space<hbm>>
    %dma_start3A_173 = arith.constant 12288 : i32
    %dma_start3A_174 = tpu.memref_slice %arg6[%add3A_169, %dma_start3A_173] : memref<64x16384xf32, #tpu.memory_space<hbm>> -> memref<1x4096xf32, #tpu.memory_space<hbm>>
    %dma_start3A_175 = tpu.memref_squeeze %dma_start3A_174 : memref<1x4096xf32, #tpu.memory_space<hbm>> -> memref<4096xf32, #tpu.memory_space<hbm>>
    tpu.enqueue_dma source(%arg10 : memref<4096xf32, #tpu.memory_space<vmem>>) target(%dma_start3A_175 : memref<4096xf32, #tpu.memory_space<hbm>>) target_semaphore(%arg15 : memref<!tpu.dma_semaphore, #tpu.memory_space<semaphore_mem>>)
    %dma_wait3A_176 = arith.constant 8192 : i32
    %dma_wait3A_177 = tpu.memref_slice %arg6[%add3A_152, %dma_wait3A_176] : memref<64x16384xf32, #tpu.memory_space<hbm>> -> memref<1x4096xf32, #tpu.memory_space<hbm>>
    %dma_wait3A_178 = tpu.memref_squeeze %dma_wait3A_177 : memref<1x4096xf32, #tpu.memory_space<hbm>> -> memref<4096xf32, #tpu.memory_space<hbm>>
    %dma_wait3A_179 = arith.constant 8192 : i32
    %dma_wait3A_180 = tpu.memref_slice %arg6[%add3A_152, %dma_wait3A_179] : memref<64x16384xf32, #tpu.memory_space<hbm>> -> memref<1x4096xf32, #tpu.memory_space<hbm>>
    %dma_wait3A_181 = tpu.memref_squeeze %dma_wait3A_180 : memref<1x4096xf32, #tpu.memory_space<hbm>> -> memref<4096xf32, #tpu.memory_space<hbm>>
    tpu.wait_dma2 semaphore(%arg14 : memref<!tpu.dma_semaphore, #tpu.memory_space<semaphore_mem>>) src(%arg9 : memref<4096xf32, #tpu.memory_space<vmem>>) dst(%dma_wait3A_181 : memref<4096xf32, #tpu.memory_space<hbm>>)
    %dma_wait3A_182 = arith.constant 12288 : i32
    %dma_wait3A_183 = tpu.memref_slice %arg6[%add3A_169, %dma_wait3A_182] : memref<64x16384xf32, #tpu.memory_space<hbm>> -> memref<1x4096xf32, #tpu.memory_space<hbm>>
    %dma_wait3A_184 = tpu.memref_squeeze %dma_wait3A_183 : memref<1x4096xf32, #tpu.memory_space<hbm>> -> memref<4096xf32, #tpu.memory_space<hbm>>
    %dma_wait3A_185 = arith.constant 12288 : i32
    %dma_wait3A_186 = tpu.memref_slice %arg6[%add3A_169, %dma_wait3A_185] : memref<64x16384xf32, #tpu.memory_space<hbm>> -> memref<1x4096xf32, #tpu.memory_space<hbm>>
    %dma_wait3A_187 = tpu.memref_squeeze %dma_wait3A_186 : memref<1x4096xf32, #tpu.memory_space<hbm>> -> memref<4096xf32, #tpu.memory_space<hbm>>
    tpu.wait_dma2 semaphore(%arg15 : memref<!tpu.dma_semaphore, #tpu.memory_space<semaphore_mem>>) src(%arg10 : memref<4096xf32, #tpu.memory_space<vmem>>) dst(%dma_wait3A_187 : memref<4096xf32, #tpu.memory_space<hbm>>)
    return
  }
}

module attributes {stable_mosaic.version = 14 : i64} {
  func.func @_mlp_body(%arg0: i32, %arg1: memref<64x8192xf32, #tpu.memory_space<vmem>>, %arg2: memref<256x64xf32, #tpu.memory_space<vmem>>, %arg3: memref<256x1xf32, #tpu.memory_space<vmem>>, %arg4: memref<64x256xf32, #tpu.memory_space<vmem>>, %arg5: memref<64x1xf32, #tpu.memory_space<vmem>>, %arg6: memref<64x1xf32, #tpu.memory_space<vmem>>, %arg7: memref<1xf32, #tpu.memory_space<smem>>, %arg8: memref<1x8192xf32, #tpu.memory_space<vmem>>) attributes {dimension_semantics = [#tpu.dimension_semantics<arbitrary>], iteration_bounds = array<i64: 2>, scalar_prefetch = 0 : i64, scratch_operands = 0 : i64, tpu.core_type = #tpu.core_type<tc>, window_params = [{transform_indices = @transform_0, window_bounds = array<i64: 64, 8192>}, {pipeline_mode = #tpu.pipeline_mode<synchronous>, transform_indices = @transform_1, window_bounds = array<i64: 256, 64>}, {pipeline_mode = #tpu.pipeline_mode<synchronous>, transform_indices = @transform_2, window_bounds = array<i64: 256, 1>}, {pipeline_mode = #tpu.pipeline_mode<synchronous>, transform_indices = @transform_3, window_bounds = array<i64: 64, 256>}, {pipeline_mode = #tpu.pipeline_mode<synchronous>, transform_indices = @transform_4, window_bounds = array<i64: 64, 1>}, {pipeline_mode = #tpu.pipeline_mode<synchronous>, transform_indices = @transform_5, window_bounds = array<i64: 64, 1>}, {transform_indices = @transform_6, window_bounds = array<i64: 1>}, {transform_indices = @transform_7, window_bounds = array<i64: 1, 8192>}]} {
    %get3A = arith.constant 0 : index
    %get3A_0 = arith.constant 0 : index
    %get3A_1 = vector.load %arg1[%get3A, %get3A_0] : memref<64x8192xf32, #tpu.memory_space<vmem>>, vector<64x8192xf32>
    %convert_element_type3A = arith.truncf %get3A_1 : vector<64x8192xf32> to vector<64x8192xbf16>
    %get3A_2 = arith.constant 0 : index
    %get3A_3 = arith.constant 0 : index
    %get3A_4 = vector.load %arg2[%get3A_2, %get3A_3] : memref<256x64xf32, #tpu.memory_space<vmem>>, vector<256x64xf32>
    %convert_element_type3A_5 = arith.truncf %get3A_4 : vector<256x64xf32> to vector<256x64xbf16>
    %dot_general3A = arith.constant dense<0.000000e+00> : vector<256x8192xf32>
    %dot_general3A_6 = tpu.matmul %convert_element_type3A_5, %convert_element_type3A, %dot_general3A {dimension_numbers = #tpu.dot_dimension_numbers<[1], [0], [0], [1], [0, 0, 1, 1], [], []>, transpose_lhs_hint = false} : vector<256x64xbf16>, vector<64x8192xbf16>, vector<256x8192xf32> -> vector<256x8192xf32>
    %get3A_7 = arith.constant 0 : index
    %get3A_8 = arith.constant 0 : index
    %get3A_9 = vector.load %arg3[%get3A_7, %get3A_8] : memref<256x1xf32, #tpu.memory_space<vmem>>, vector<256x1xf32>
    %add3A = vector.broadcast %get3A_9 : vector<256x1xf32> to vector<256x8192xf32>
    %add3A_10 = arith.addf %dot_general3A_6, %add3A : vector<256x8192xf32>
    %max3A = arith.constant 0.000000e+00 : f32
    %max3A_11 = vector.broadcast %max3A : f32 to vector<256x8192xf32>
    %max3A_12 = arith.maximumf %add3A_10, %max3A_11 : vector<256x8192xf32>
    %convert_element_type3A_13 = arith.truncf %max3A_12 : vector<256x8192xf32> to vector<256x8192xbf16>
    %get3A_14 = arith.constant 0 : index
    %get3A_15 = arith.constant 0 : index
    %get3A_16 = vector.load %arg4[%get3A_14, %get3A_15] : memref<64x256xf32, #tpu.memory_space<vmem>>, vector<64x256xf32>
    %convert_element_type3A_17 = arith.truncf %get3A_16 : vector<64x256xf32> to vector<64x256xbf16>
    %dot_general3A_18 = arith.constant dense<0.000000e+00> : vector<64x8192xf32>
    %dot_general3A_19 = tpu.matmul %convert_element_type3A_17, %convert_element_type3A_13, %dot_general3A_18 {dimension_numbers = #tpu.dot_dimension_numbers<[1], [0], [0], [1], [0, 0, 1, 1], [], []>, transpose_lhs_hint = false} : vector<64x256xbf16>, vector<256x8192xbf16>, vector<64x8192xf32> -> vector<64x8192xf32>
    %get3A_20 = arith.constant 0 : index
    %get3A_21 = arith.constant 0 : index
    %get3A_22 = vector.load %arg5[%get3A_20, %get3A_21] : memref<64x1xf32, #tpu.memory_space<vmem>>, vector<64x1xf32>
    %add3A_23 = vector.broadcast %get3A_22 : vector<64x1xf32> to vector<64x8192xf32>
    %add3A_24 = arith.addf %dot_general3A_19, %add3A_23 : vector<64x8192xf32>
    %max3A_25 = arith.constant 0.000000e+00 : f32
    %max3A_26 = vector.broadcast %max3A_25 : f32 to vector<64x8192xf32>
    %max3A_27 = arith.maximumf %add3A_24, %max3A_26 : vector<64x8192xf32>
    %get3A_28 = arith.constant 0 : index
    %get3A_29 = arith.constant 0 : index
    %get3A_30 = vector.load %arg6[%get3A_28, %get3A_29] : memref<64x1xf32, #tpu.memory_space<vmem>>, vector<64x1xf32>
    %mul3A = vector.broadcast %get3A_30 : vector<64x1xf32> to vector<64x8192xf32>
    %mul3A_31 = arith.mulf %max3A_27, %mul3A : vector<64x8192xf32>
    %reduce_sum3A = arith.constant dense<0.000000e+00> : vector<8192xf32>
    %reduce_sum3A_32 = vector.multi_reduction <add>, %mul3A_31, %reduce_sum3A [0] : vector<64x8192xf32> to vector<8192xf32>
    %broadcast_in_dim3A = vector.shape_cast %reduce_sum3A_32 : vector<8192xf32> to vector<1x8192xf32>
    %get3A_33 = arith.constant 0 : index
    %get3A_34 = memref.load %arg7[%get3A_33] : memref<1xf32, #tpu.memory_space<smem>>
    %add3A_35 = vector.broadcast %get3A_34 : f32 to vector<1x8192xf32>
    %add3A_36 = arith.addf %broadcast_in_dim3A, %add3A_35 : vector<1x8192xf32>
    %swap3A = arith.constant 0 : index
    %swap3A_37 = arith.constant 0 : index
    %swap3A_38 = vector.load %arg8[%swap3A, %swap3A_37] : memref<1x8192xf32, #tpu.memory_space<vmem>>, vector<1x8192xf32>
    tpu.vector_store %arg8[%swap3A, %swap3A_37], %add3A_36 {strides = array<i32>} : memref<1x8192xf32, #tpu.memory_space<vmem>>, vector<1x8192xf32>,
    return
  }
  func.func @transform_0(%arg0: i32) -> (i32, i32) {
    %c0_i32 = arith.constant 0 : i32
    %c0_i32_0 = arith.constant 0 : i32
    return %c0_i32, %arg0 : i32, i32
  }
  func.func @transform_1(%arg0: i32) -> (i32, i32) {
    %c0_i32 = arith.constant 0 : i32
    %c0_i32_0 = arith.constant 0 : i32
    %c0_i32_1 = arith.constant 0 : i32
    return %c0_i32, %c0_i32_0 : i32, i32
  }
  func.func @transform_2(%arg0: i32) -> (i32, i32) {
    %c0_i32 = arith.constant 0 : i32
    %c0_i32_0 = arith.constant 0 : i32
    %c0_i32_1 = arith.constant 0 : i32
    return %c0_i32, %c0_i32_0 : i32, i32
  }
  func.func @transform_3(%arg0: i32) -> (i32, i32) {
    %c0_i32 = arith.constant 0 : i32
    %c0_i32_0 = arith.constant 0 : i32
    %c0_i32_1 = arith.constant 0 : i32
    return %c0_i32, %c0_i32_0 : i32, i32
  }
  func.func @transform_4(%arg0: i32) -> (i32, i32) {
    %c0_i32 = arith.constant 0 : i32
    %c0_i32_0 = arith.constant 0 : i32
    %c0_i32_1 = arith.constant 0 : i32
    return %c0_i32, %c0_i32_0 : i32, i32
  }
  func.func @transform_5(%arg0: i32) -> (i32, i32) {
    %c0_i32 = arith.constant 0 : i32
    %c0_i32_0 = arith.constant 0 : i32
    %c0_i32_1 = arith.constant 0 : i32
    return %c0_i32, %c0_i32_0 : i32, i32
  }
  func.func @transform_6(%arg0: i32) -> i32 {
    %c0_i32 = arith.constant 0 : i32
    %c0_i32_0 = arith.constant 0 : i32
    return %c0_i32 : i32
  }
  func.func @transform_7(%arg0: i32) -> (i32, i32) {
    %c0_i32 = arith.constant 0 : i32
    %c0_i32_0 = arith.constant 0 : i32
    return %c0_i32, %arg0 : i32, i32
  }
}

</mosaic_0001>

<sc_bundles>
// kernel: kernel.4.cloned.1.call-start
scs
__scs_entry_jumppad:
0x0: {  	(pc) =	sbr.rel $0x88, $3  }
0x1: {  	(tag) =	ssettag $0x0;
	lr =	simm.s32 $0x1  }
0x2: {  	[smem:$0x3F97] =	sst lr;
	_ =	strace $0xD0000000  }
0x3: {  	_ = 	snop  }
0x4: {  	_ = 	snop  }
0x5: {  	_ = 	snop  }
0x6: {  	_ = 	snop  }
0x7: {  	_ = 	snop  }
__scs_overlays_trampoline_lowered:
0x8: {  	[smem:$0x3FA6] =	sst s0  }
0x9: {  	[smem:$0x3FA7] =	sst s1  }
0xa: {  	[smem:$0x3FA8] =	sst s2  }
0xb: {  	[smem:$0x3FA9] =	sst s3  }
0xc: {  	[smem:$0x3FAA] =	sst s4  }
0xd: {  	[smem:$0x3FAB] =	sst s5  }
0xe: {  	[smem:$0x3FAC] =	sst s6  }
0xf: {  	[smem:$0x3FAD] =	sst s7  }
0x10: {  	[smem:$0x3FAE] =	sst s8  }
0x11: {  	[smem:$0x3FAF] =	sst s9;
	s0 =	simm.s32 @!p0 $0x0  }
0x12: {  	s1 =	sld [smem:$0x3F95];
	s0 =	simm.s32 @p0 $0x1  }
0x13: {  	[smem:$0x3FB0] =	sst s0;
	s0 =	simm.s32 @!p1 $0x0  }
0x14: {  	s2 =	sld [smem:$0x3F94];
	s0 =	simm.s32 @p1 $0x1  }
0x15: {  	[smem:$0x3FB1] =	sst s0;
	s0 =	simm.s32 @!p2 $0x0  }
0x16: {  	s3 =	sld [smem:$0x3FDB];
	s0 =	simm.s32 @p2 $0x1  }
0x17: {  	s4 =	simm.s32 $0x1BF5;
	[smem:$0x3FB3] =	sst s0  }
0x18: {  	s0 =	sld [smem:$0x3F96];
	_ =	swait.ge [sflag:s4], $0x0  }
0x19: {  	s7 =	sld [smem:$0x3F97]  }
0x1a: {  	s8 =	sadd.s32 $0xFFFFE003, lr  }
0x1b: {  	s9 =	sadd.s32 $0xFFFFFEF7, lr;
	s5 =	simm.s32 $0xFFFFFFFF;
	p2 =	slt.u32 s8, $0xFFFFF086  }
0x1c: {  	p1 =	slt.u32 s9, $0xF7A;
	s5 =	simm.s32 @!p2 $0x0  }
0x1d: {  	s5 =	simm.s32 @p1 $0x1;
	p0 =	seq.s32 s7, s2  }
0x1e: {  	s7 =	smul.u32 @!p0 $0xF7A, s2;
	p2 =	seq.s32 @!p0 s5, $0x0  }
0x1f: {  	s9 =	smul.u32 $0xF7A, s1;
	s8 =	simm.s32 @!p0 $0x1BF5;
	p2 =	por !p2, p0  }
0x20: {  	[sflag:s8] =	ssyncset.s32 @!p0 $0xFFFFF086;
	s6 =	sadd.s32 @!p0 s3, s7;
	s7 =	simm.s32 @!p0 $0x108  }
0x21: {  	s3 =	sadd.s32 s3, s9;
	s6 =	sadd.s32 @!p0 $0x88, s6;
	s7 =	simm.s32 @p2 $0x1082  }
0x22: {  	[simem:s7], [sflag:s8] =	dma.local @!p0 [hbm:s6], $0xF7A  }
0x23: {  	s9 =	sor.u32 $0xD0000000, s2;
	s6 =	simm.s32 $0x108;
	_ =	swait.ge @!p0 [sflag:s8], $0x0  }
0x24: {  	s3 =	sadd.s32 $0x88, s3;
	s6 =	simm.s32 @!p1 $0x1082;
	[sflag:s4] =	ssyncset.s32 $0xFFFFF086  }
0x25: {  	[simem:s6], [sflag:s4] =	dma.local [hbm:s3], $0xF7A  }
0x26: {  	[smem:$0x3F97] =	sst s1;
	(tag) =	ssettag s2;
	_ =	strace s9  }
0x27: {  	s1 =	sld [smem:$0x3FA7]  }
0x28: {  	s2 =	sld [smem:$0x3FA8]  }
0x29: {  	s4 =	sld [smem:$0x3FAA]  }
0x2a: {  	p0 =	seq.s32 s5, $0x0;
	s5 =	sld [smem:$0x3FAB]  }
0x2b: {  	s6 =	sld [smem:$0x3FAC]  }
0x2c: {  	s7 =	sld [smem:$0x3FAD]  }
0x2d: {  	s3 =	simm.s32 $0x108;
	s8 =	sld [smem:$0x3FAE]  }
0x2e: {  	s3 =	simm.s32 @!p0 $0x1082;
	s9 =	sld [smem:$0x3FAF]  }
0x2f: {  	lr =	sadd.s32 s0, s3;
	s0 =	sld [smem:$0x3FA6]  }
0x30: {  	s3 =	sld [smem:$0x3FA9]  }
0x31: {  	[smem:$0x3FB2] =	sst s10  }
0x32: {  	s10 =	sld [smem:$0x3FB0];
	_ =	sdelay $0x3  }
0x33: {  	p0 =	seq.s32 s10, $0x1;
	s10 =	sld [smem:$0x3FB2];
	_ =	sdelay $0x3  }
0x34: {  	[smem:$0x3FB2] =	sst s10  }
0x35: {  	s10 =	sld [smem:$0x3FB1];
	_ =	sdelay $0x3  }
0x36: {  	p1 =	seq.s32 s10, $0x1;
	s10 =	sld [smem:$0x3FB2];
	_ =	sdelay $0x3  }
0x37: {  	[smem:$0x3FB2] =	sst s10  }
0x38: {  	s10 =	sld [smem:$0x3FB3]  }
0x39: {  	_ = 	snop;
	(pc) =	sbr.ind lr, $3  }
0x3a: {  	_ = 	snop  }
0x3b: {  	_ = 	snop  }
0x3c: {  	p2 =	seq.s32 s10, $0x1;
	s10 =	sld [smem:$0x3FB2]  }
0x3d: {  	_ =	shalt  }
0x3e: {  	_ =	shalt  }
0x3f: {  	_ =	shalt  }
0x40: {  	_ =	shalt  }
0x41: {  	_ =	shalt  }
0x42: {  	_ =	shalt  }
0x43: {  	_ =	shalt  }
0x44: {  	_ =	shalt  }
0x45: {  	_ =	shalt  }
0x46: {  	_ =	shalt  }
0x47: {  	_ =	shalt  }
0x48: {  	_ =	shalt  }
0x49: {  	_ =	shalt  }
0x4a: {  	_ =	shalt  }
0x4b: {  	_ =	shalt  }
0x4c: {  	_ =	shalt  }
0x4d: {  	_ =	shalt  }
0x4e: {  	_ =	shalt  }
0x4f: {  	_ =	shalt  }
0x50: {  	_ =	shalt  }
0x51: {  	_ =	shalt  }
0x52: {  	_ =	shalt  }
0x53: {  	_ =	shalt  }
0x54: {  	_ =	shalt  }
0x55: {  	_ =	shalt  }
0x56: {  	_ =	shalt  }
0x57: {  	_ =	shalt  }
0x58: {  	_ =	shalt  }
0x59: {  	_ =	shalt  }
0x5a: {  	_ =	shalt  }
0x5b: {  	_ =	shalt  }
0x5c: {  	_ =	shalt  }
0x5d: {  	_ =	shalt  }
0x5e: {  	_ =	shalt  }
0x5f: {  	_ =	shalt  }
0x60: {  	_ =	shalt  }
0x61: {  	_ =	shalt  }
0x62: {  	_ =	shalt  }
0x63: {  	_ =	shalt  }
0x64: {  	_ =	shalt  }
0x65: {  	_ =	shalt  }
0x66: {  	_ =	shalt  }
0x67: {  	_ =	shalt  }
0x68: {  	_ =	shalt  }
0x69: {  	_ =	shalt  }
0x6a: {  	_ =	shalt  }
0x6b: {  	_ =	shalt  }
0x6c: {  	_ =	shalt  }
0x6d: {  	_ =	shalt  }
0x6e: {  	_ =	shalt  }
0x6f: {  	_ =	shalt  }
0x70: {  	_ =	shalt  }
0x71: {  	_ =	shalt  }
0x72: {  	_ =	shalt  }
0x73: {  	_ =	shalt  }
0x74: {  	_ =	shalt  }
0x75: {  	_ =	shalt  }
0x76: {  	_ =	shalt  }
0x77: {  	_ =	shalt  }
0x78: {  	_ =	shalt  }
0x79: {  	_ =	shalt  }
0x7a: {  	_ =	shalt  }
0x7b: {  	_ =	shalt  }
0x7c: {  	_ =	shalt  }
0x7d: {  	_ =	shalt  }
0x7e: {  	_ =	shalt  }
0x7f: {  	_ =	shalt  }
0x80: {  	_ =	shalt  }
0x81: {  	_ =	shalt  }
0x82: {  	_ =	shalt  }
0x83: {  	_ =	shalt  }
0x84: {  	_ =	shalt  }
0x85: {  	_ =	shalt  }
0x86: {  	_ =	shalt  }
0x87: {  	_ =	shalt  }
.Lfunc_end0:
.L_simem_size_0:
called_computation_lowered:
.L_overlay_start_0:
0x88: {  	s2 =	sld [smem:$0x3FD9]  }
0x89: {  	s3 =	sld [smem:$0x3FFE];
	_ =	sdelay $0x1  }
0x8a: {  	s1 =	srdreg.scid  }
0x8b: {  	s0 =	sand.u32 $0x1, s1  }
0x8c: {  	s17 =	sshll.u32 s0, $0xA;
	s2 =	sadd.s32 s3, s2  }
0x8d: {  	s2 =	sadd.s32 s2, s17  }
0x8e: {  	[smem:$0x3FBE] =	sst s2  }
0x8f: {  	_ = 	snop  }
0x90: {  	s2 =	sld [smem:$0x3FC9]  }
0x91: {  	s18 =	sld [smem:$0x3FC8]  }
0x92: {  	s4 =	sld [smem:$0x3FC7]  }
0x93: {  	s5 =	sld [smem:$0x3FC6];
	(tm) =	ssettm $0x1  }
0x94: {  	s6 =	sld [smem:$0x3FFB];
	_ =	sdelay $0x3  }
0x95: {  	_ =	strace s6  }
0x96: {  	s6 =	sld [smem:$0x3FFC];
	_ =	sdelay $0x3  }
0x97: {  	_ =	strace s6  }
0x98: {  	s6 =	sld [smem:$0x3FFD];
	_ =	sdelay $0x3  }
0x99: {  	_ =	strace s6  }
0x9a: {  	_ =	strace $0x8FFFFFFF  }
0x9b: {  	s19 =	sld [smem:$0x3FDB];
	_ =	sdelay $0x1  }
0x9c: {  	s7 =	simm.s32 $_scs_section_size  }
0x9d: {  	s8 =	simm.s32 $_size__tile_overlayer_lowered;
	s9 =	simm.s32 $_tile_overlayer_lowered  }
0x9e: {  	s22 =	simm.s32 $0x1BFF;
	s21 =	sshll.u32 s9, $0x1;
	s6 =	sadd.s32 s7, s19  }
0x9f: {  	s10 =	simm.s32 $0x0;
	s20 =	sshll.u32 s8, $0x1;
	s8 =	sadd.s32 s21, s6  }
0xa0: {  	[timem:s10], [sflag:s22] =	dma.local [hbm:s8], s20  }
0xa1: {  	_ =	swait.ge [sflag:s22], s20  }
0xa2: {  	s7 =	ssub.s32 $0x0, s20;
	[sflag:s22] =	ssyncset.done $0x0  }
0xa3: {  	[sflag:s22] =	ssyncadd.s32 s7;
	_ =	sdelay $0x1  }
0xa4: {  	s23 =	simm.s32 $0x1B8B  }
0xa5: {  	_ =	swait.ge [sflag:s23], $0x1  }
0xa6: {  	[sflag:s23] =	ssyncset.done $0x0  }
0xa7: {  	s25 =	simm.s32 $0x1B8E;
	s24 =	sld [smem:$0x3FFE];
	[sflag:s23] =	ssyncadd.s32 $0xFFFFFFFF  }
0xa8: {  	s26 =	simm.s32 $execute0_lowered;
	[smem:$0x3FD2] =	sst s25  }
0xa9: {  	s8 =	sshll.u32 s26, $0x1;
	_ =	strace $0x80000046;
	[dreg:$0x1] =	wrdreg $0xFFFFFFFF  }
0xaa: {  	s28 =	simm.s32 $_size_execute0_lowered;
	s6 =	sadd.s32 s6, s8;
	[dreg:$0x0] =	wrdreg $0x0  }
0xab: {  	s8 =	sshll.u32 s28, $0x1;
	[dreg:$0x2] =	wrdreg s6  }
0xac: {  	[dreg:$0x3] =	wrdreg s8  }
0xad: {  	[dreg:$0x4] =	wrdreg $0xC0  }
0xae: {  	_ =	task [dreg:s10], $0x5FFFF  }
0xaf: {  	[dreg:$0x1] =	wrdreg $0xFFFFFFFF  }
0xb0: {  	[dreg:$0x0] =	wrdreg $0x60  }
0xb1: {  	[dreg:$0x2] =	wrdreg s4  }
0xb2: {  	[dreg:$0x3] =	wrdreg s5  }
0xb3: {  	[dreg:$0x4] =	wrdreg s2  }
0xb4: {  	[dreg:$0x5] =	wrdreg s18  }
0xb5: {  	[dreg:$0x6] =	wrdreg s24  }
0xb6: {  	[dreg:$0x7] =	wrdreg $0x1E7000  }
0xb7: {  	[dreg:$0x8] =	wrdreg $0x9  }
0xb8: {  	_ =	task.clear_ibuf [dreg:s10], $0x9FFFF;
	_ =	strace $0x90000046  }
0xb9: {  	s29 =	simm.s32 $0x9;
	_ =	strace $0x80000048  }
0xba: {  	_ =	swait.ge [sflag:s29], $0x1  }
0xbb: {  	[sflag:s29] =	ssyncadd.s32 $0xFFFFFFFF  }
0xbc: {  	_ =	strace $0x90000048  }
0xbd: {  	_ =	sfence  }
0xbe: {  	s30 =	sld [smem:$0x0];
	_ =	sdelay $0x2  }
0xbf: {  	s31 =	sshll.u32 s1, $0xD;
	s1 =	sshrl.u32 s1, $0x2  }
0xc0: {  	s3 =	sand.u32 $0x4000, s31;
	s1 =	sadd.s32 s1, s30  }
0xc1: {  	s0 =	sor.u32 s3, s0;
	s1 =	sshll.u32 s1, $0x11  }
0xc2: {  	s0 =	sor.u32 s1, s0  }
0xc3: {  	s0 =	sadd.s32 $0x8F2B, s0  }
0xc4: {  	[sflag:s0] =	ssyncadd.remote.s32 $0x1  }
0xc5: {  	_ =	sfence.sel $0xFFFF  }
0xc6: {  	[dreg:$0x0] =	wrdreg $0xFFFFFFFF;
	(pc) =	sbr.abs _section_cstart, $3  }
0xc7: {  	[dreg:$0x1] =	wrdreg $0xFFFFFFFF  }
0xc8: {  	_ =	task.clear_ibuf [dreg:s10], $0x2FFFF;
	_ =	strace $0x9FFFFFFF  }
0xc9: {  	(tm) =	ssettm $0x7FFFFFFF  }
tec
execute0_lowered:
.L_overlay_start_1:
0x0: {  	(tag) =	ssettag $0x1  }
0x1: {  	s0 =	rddreg [dreg:$0x0]  }
0x2: {  	s1 =	rddreg [dreg:$0x1]  }
0x3: {  	s5 =	rddreg [dreg:$0x4]  }
0x4: {  	s2 =	rddreg [dreg:$0x5];
	s4 =	simm.s32 $0x0  }
0x5: {  	s6 =	srdreg.scid;
	s17 =	stileid.u32;
	s18 =	simm.s32 $0x400  }
0x6: {  	s19 =	simm.s32 $0x4000;
	s28 =	simm.s32 $0x3;
	s29 =	simm.s32 $0x4  }
0x7: {  	s30 =	simm.s32 $0x0;
	[smem:$0x7FF] =	sst s4;
	s15 =	sadd.s32 $0x1000, s5  }
0x8: {  	s21 =	sand.u32 $0x1, s6;
	s7 =	sshrl.u32 s17, $0x2;
	s8 =	sshll.u32 s17, $0x8  }
0x9: {  	s25 =	sshll.u32 s17, $0xF;
	p0 =	sne.s32 s17, $0x0;
	s17 =	simm.s32 $0x80  }
0xa: {  	_ =	strace $0x80000047;
	s6 =	ssub.s32 $0x2, s21;
	s5 =	sshll.u32 s21, $0x7  }
0xb: {  	s8 =	sand.u32 $0x300, s8;
	s9 =	smul.u32 $0xC3800, s7;
	s22 =	sshll.u32 s7, $0x11  }
0xc: {  	s26 =	sand.u32 $0x60000, s25;
	s7 =	sadd.s32 $0x80, s2;
	s20 =	sshrl.u32 @!p0 s2, $0x3  }
0xd: {  	s10 =	sshrl.u32 s6, $0x1;
	s11 =	sor.u32 s5, s8;
	s21 =	sshrl.u32 @!p0 s7, $0x3  }
0xe: {  	s16 =	ssub.s32 s6, s10;
	s23 =	sor.u32 s9, s11;
	s5 =	sor.u32 s22, s11  }
0xf: {  	s22 =	simm.s32 $0x100;
	s12 =	sshrl.u32 s23, $0x3;
	s24 =	sshrl.u32 s5, $0x3  }
0x10: {  	s16 =	smax.u32 s16, $0x1;
	s23 =	simm.s32 $0x1;
	s5 =	sadd.s32 s0, s12  }
0x11: {  	s6 =	sadd.s32 s15, s24;
	s0 =	sor.u32 s26, s11;
	s11 =	sor.u32 s25, s11  }
0x12: {  	s24 =	simm.s32 $0x2;
	s25 =	simm.s32 $0x1C700;
	s26 =	simm.s32 $0x1D700  }
0x13: {  	s8 =	sadd.s32 $0x1000, s6;
	s9 =	sadd.s32 $0x2000, s6;
	s0 =	sshrl.u32 s0, $0x3  }
0x14: {  	s10 =	sadd.s32 $0x3000, s6;
	s13 =	sshrl.u32 s11, $0x3;
	s0 =	sadd.s32 s0, s15  }
0x15: {  	s11 =	sadd.s32 s1, s12;
	s31 =	sor.u32 $0x13000, s13;
	s12 =	sadd.s32 $0x10000, s0  }
0x16: {  	s13 =	sadd.s32 $0x11000, s0;
	s14 =	sadd.s32 $0x12000, s0;
	s15 =	sadd.s32 s15, s31  }
.LBB2_1:
0x17: {  	[tilespmem:s19], [sflag:$0x1] =	stream.strided.gather [hbm4b:s5+s17], $0x18700, s18, s17, $0x38;
	[tilespmem:$0x1EF00] =	vst v63  }
0x18: {  	s0 =	simm.s32 @!p0 $0x1;
	s1 =	simm.s32 @!p0 $0x20  }
0x19: {  	s31 =	simm.s32 @!p0 $0x10;
	s2 =	simm.s32 @!p0 $0x1C02;
	s3 =	rddreg [dreg:$0x2]  }
0x1a: {  	[spmem:s20@s1], [sflag:s2] =	dma.strided @!p0 [hbm:s3@s31], $0x800, s0, $0x10   }
0x1b: {  	s3 =	rddreg [dreg:$0x3]  }
0x1c: {  	[spmem:s21@s1], [sflag:s2] =	dma.strided @!p0 [hbm:s3@s31], $0x800, s0, $0x10   }
0x1d: {  	s0 =	simm.s32 @!p0 $0x2  }
0x1e: {  	_ =	swait.ge @!p0 [sflag:s0], $0x800  }
0x1f: {  	[sflag:s0] =	ssyncset.done @!p0 $0x0  }
0x20: {  	[sflag:s0] =	ssyncadd.s32 @!p0 $0xFFFFF800  }
0x21: {  	_ =	swait.ge @!p0 [sflag:s0], $0x800  }
0x22: {  	[sflag:s0] =	ssyncset.done @!p0 $0x0  }
0x23: {  	[sflag:s0] =	ssyncadd.s32 @!p0 $0xFFFFF800  }
0x24: {  	[bflag:$0x0] =	sbarrier.arrive $0xFFFF  }
0x25: {  	s2 =	rddreg [dreg:$0x5]  }
0x26: {  	[tilespmem:s4], [sflag:$0x2] =	stream.strided.gather [spmem:s2], $0x4000, s22, s17, $0x38;
	[tilespmem:$0x1EF00] =	vst v63  }
0x27: {  	_ =	swait.ge [sflag:s23], $0x18700  }
0x28: {  	[sflag:s23] =	ssyncset.done $0x0  }
0x29: {  	[sflag:s23] =	ssyncadd.s32 $0xFFFE7900  }
0x2a: {  	_ =	swait.ge [sflag:s24], $0x4000  }
0x2b: {  	[sflag:s24] =	ssyncset.done $0x0  }
0x2c: {  	s3 =	simm.s32 $0x40;
	[sflag:s24] =	ssyncadd.s32 $0xFFFFC000  }
0x2d: {  	v0 =	vld [tilespmem:s3+$0x30]  }
0x2e: {  	v1 =	vld [tilespmem:s3+$0xFFFFFFD0]  }
0x2f: {  	v2 =	vld [tilespmem:s3+$0xFFFFFFE0]  }
0x30: {  	v3 =	vld [tilespmem:s3+$0xFFFFFFF0]  }
0x31: {  	v4 =	vld [tilespmem:s3+$0x0]  }
0x32: {  	v6 =	vld [tilespmem:s3+$0x10]  }
0x33: {  	v7 =	vld [tilespmem:s3+$0x20]  }
0x34: {  	v8 =	vld [tilespmem:s3+$0xFFFFFFC0]  }
0x35: {  	v9 =	vld.idx.msk [tilespmem:v0+s19+$0x0], $0xffff  }
0x36: {  	v10 =	vld.idx.msk [tilespmem:v1+s19+$0x0], $0xffff  }
0x37: {  	v5 =	vld.idx.msk [tilespmem:v2+s19+$0x0], $0xffff  }
0x38: {  	v3 =	vld.idx.msk [tilespmem:v3+s19+$0x0], $0xffff  }
0x39: {  	v0 =	vld.idx.msk [tilespmem:v4+s19+$0x0], $0xffff  }
0x3a: {  	s31 =	simm.s32 $0x1C740;
	v1 =	vld.idx.msk [tilespmem:v6+s19+$0x0], $0xffff  }
0x3b: {  	v2 =	vld.idx.msk [tilespmem:v7+s19+$0x0], $0xffff;
	[tilespmem:s31+$0x30] =	vst v9  }
0x3c: {  	s1 =	simm.s32 $0xC0;
	s0 =	simm.s32 $0x0;
	v4 =	vld.idx.msk [tilespmem:v8+s19+$0x0], $0xffff;
	[tilespmem:s31+$0xFFFFFFD0] =	vst v10  }
.LBB2_2:
0x3d: {  	v6 =	vld [tilespmem:s1+$0x30];
	s0 =	sadd.s32 $0x80, s0;
	[tilespmem:s31+$0xFFFFFFE0] =	vst v5  }
0x3e: {  	v5 =	vld [tilespmem:s1+$0xFFFFFFD0];
	p1 =	slt.u32 s0, $0xF80;
	[tilespmem:s31+$0xFFFFFFF0] =	vst v3  }
0x3f: {  	v3 =	vld [tilespmem:s1+$0xFFFFFFE0];
	[tilespmem:s31+$0x0] =	vst v0  }
0x40: {  	v0 =	vld [tilespmem:s1+$0xFFFFFFF0];
	[tilespmem:s31+$0x10] =	vst v1  }
0x41: {  	v1 =	vld [tilespmem:s1+$0x0];
	[tilespmem:s31+$0x20] =	vst v2  }
0x42: {  	v2 =	vld [tilespmem:s1+$0x10];
	[tilespmem:s31+$0xFFFFFFC0] =	vst v4  }
0x43: {  	v4 =	vld [tilespmem:s1+$0x20]  }
0x44: {  	v7 =	vld [tilespmem:s1+$0xFFFFFFC0]  }
0x45: {  	v6 =	vld.idx.msk [tilespmem:v6+s19+$0x0], $0xffff  }
0x46: {  	v8 =	vld.idx.msk [tilespmem:v5+s19+$0x0], $0xffff  }
0x47: {  	v5 =	vld.idx.msk [tilespmem:v3+s19+$0x0], $0xffff  }
.Ltmp0:
0x48: {  	v3 =	vld.idx.msk [tilespmem:v0+s19+$0x0], $0xffff;
	(pc) =	sbr.rel @p1 .LBB2_2-.Ltmp0, $4  }
0x49: {  	v0 =	vld.idx.msk [tilespmem:v1+s19+$0x0], $0xffff  }
0x4a: {  	s31 =	sadd.s32 $0x80, s31;
	v1 =	vld.idx.msk [tilespmem:v2+s19+$0x0], $0xffff  }
0x4b: {  	v2 =	vld.idx.msk [tilespmem:v4+s19+$0x0], $0xffff;
	[tilespmem:s31+$0x30] =	vst v6  }
0x4c: {  	s1 =	sadd.s32 $0x80, s1;
	v4 =	vld.idx.msk [tilespmem:v7+s19+$0x0], $0xffff;
	[tilespmem:s31+$0xFFFFFFD0] =	vst v8  }
0x4d: {  	[tilespmem:s31+$0xFFFFFFE0] =	vst v5  }
0x4e: {  	[tilespmem:s31+$0xFFFFFFF0] =	vst v3  }
0x4f: {  	[tilespmem:s31+$0x0] =	vst v0  }
0x50: {  	[tilespmem:s31+$0x10] =	vst v1  }
0x51: {  	[tilespmem:s31+$0x20] =	vst v2  }
0x52: {  	s0 =	simm.s32 $0x1070;
	[tilespmem:s31+$0xFFFFFFC0] =	vst v4  }
0x53: {  	[hbm4b:s6+s17] =	stream.strided.scatter [tilespmem:s25], [sflag:$0x3], $0x1000, s18, s17, $0x38;
	[tilespmem:$0x1EF00] =	vst v63  }
0x54: {  	v0 =	vld [tilespmem:s0+$0x0]  }
0x55: {  	v1 =	vld [tilespmem:s0+$0xFFFFFFA0]  }
0x56: {  	v2 =	vld [tilespmem:s0+$0xFFFFFFB0]  }
0x57: {  	v3 =	vld [tilespmem:s0+$0xFFFFFFC0]  }
0x58: {  	v4 =	vld [tilespmem:s0+$0xFFFFFFD0]  }
0x59: {  	v6 =	vld [tilespmem:s0+$0xFFFFFFE0]  }
0x5a: {  	v7 =	vld [tilespmem:s0+$0xFFFFFFF0]  }
0x5b: {  	v8 =	vld [tilespmem:s0+$0xFFFFFF90]  }
0x5c: {  	v9 =	vld.idx.msk [tilespmem:v0+s19+$0x0], $0xffff  }
0x5d: {  	v10 =	vld.idx.msk [tilespmem:v1+s19+$0x0], $0xffff  }
0x5e: {  	v5 =	vld.idx.msk [tilespmem:v2+s19+$0x0], $0xffff  }
0x5f: {  	v3 =	vld.idx.msk [tilespmem:v3+s19+$0x0], $0xffff  }
0x60: {  	v0 =	vld.idx.msk [tilespmem:v4+s19+$0x0], $0xffff  }
0x61: {  	s31 =	simm.s32 $0x1D740;
	v1 =	vld.idx.msk [tilespmem:v6+s19+$0x0], $0xffff  }
0x62: {  	v2 =	vld.idx.msk [tilespmem:v7+s19+$0x0], $0xffff;
	[tilespmem:s31+$0x30] =	vst v9  }
0x63: {  	s1 =	simm.s32 $0x10F0;
	s0 =	simm.s32 $0x1000;
	v4 =	vld.idx.msk [tilespmem:v8+s19+$0x0], $0xffff;
	[tilespmem:s31+$0xFFFFFFD0] =	vst v10  }
.LBB2_4:
0x64: {  	v6 =	vld [tilespmem:s1+$0x0];
	s0 =	sadd.s32 $0x80, s0;
	[tilespmem:s31+$0xFFFFFFE0] =	vst v5  }
0x65: {  	v5 =	vld [tilespmem:s1+$0xFFFFFFA0];
	p1 =	slt.u32 s0, $0x1F80;
	[tilespmem:s31+$0xFFFFFFF0] =	vst v3  }
0x66: {  	v3 =	vld [tilespmem:s1+$0xFFFFFFB0];
	[tilespmem:s31+$0x0] =	vst v0  }
0x67: {  	v0 =	vld [tilespmem:s1+$0xFFFFFFC0];
	[tilespmem:s31+$0x10] =	vst v1  }
0x68: {  	v1 =	vld [tilespmem:s1+$0xFFFFFFD0];
	[tilespmem:s31+$0x20] =	vst v2  }
0x69: {  	v2 =	vld [tilespmem:s1+$0xFFFFFFE0];
	[tilespmem:s31+$0xFFFFFFC0] =	vst v4  }
0x6a: {  	v4 =	vld [tilespmem:s1+$0xFFFFFFF0]  }
0x6b: {  	v7 =	vld [tilespmem:s1+$0xFFFFFF90]  }
0x6c: {  	v6 =	vld.idx.msk [tilespmem:v6+s19+$0x0], $0xffff  }
0x6d: {  	v8 =	vld.idx.msk [tilespmem:v5+s19+$0x0], $0xffff  }
0x6e: {  	v5 =	vld.idx.msk [tilespmem:v3+s19+$0x0], $0xffff  }
.Ltmp1:
0x6f: {  	v3 =	vld.idx.msk [tilespmem:v0+s19+$0x0], $0xffff;
	(pc) =	sbr.rel @p1 .LBB2_4-.Ltmp1, $4  }
0x70: {  	v0 =	vld.idx.msk [tilespmem:v1+s19+$0x0], $0xffff  }
0x71: {  	s31 =	sadd.s32 $0x80, s31;
	v1 =	vld.idx.msk [tilespmem:v2+s19+$0x0], $0xffff  }
0x72: {  	v2 =	vld.idx.msk [tilespmem:v4+s19+$0x0], $0xffff;
	[tilespmem:s31+$0x30] =	vst v6  }
0x73: {  	s1 =	sadd.s32 $0x80, s1;
	v4 =	vld.idx.msk [tilespmem:v7+s19+$0x0], $0xffff;
	[tilespmem:s31+$0xFFFFFFD0] =	vst v8  }
0x74: {  	[tilespmem:s31+$0xFFFFFFE0] =	vst v5  }
0x75: {  	[tilespmem:s31+$0xFFFFFFF0] =	vst v3  }
0x76: {  	[tilespmem:s31+$0x0] =	vst v0  }
0x77: {  	[tilespmem:s31+$0x10] =	vst v1  }
0x78: {  	[tilespmem:s31+$0x20] =	vst v2  }
0x79: {  	[tilespmem:s31+$0xFFFFFFC0] =	vst v4  }
0x7a: {  	[hbm4b:s8+s17] =	stream.strided.scatter [tilespmem:s26], [sflag:$0x4], $0x1000, s18, s17, $0x38;
	[tilespmem:$0x1EF00] =	vst v63  }
0x7b: {  	_ =	swait.ge [sflag:s28], $0x1000  }
0x7c: {  	[sflag:s28] =	ssyncset.done $0x0  }
0x7d: {  	s0 =	simm.s32 $0x2070;
	[sflag:s28] =	ssyncadd.s32 $0xFFFFF000  }
0x7e: {  	v0 =	vld [tilespmem:s0+$0x0]  }
0x7f: {  	v1 =	vld [tilespmem:s0+$0xFFFFFFA0]  }
0x80: {  	v2 =	vld [tilespmem:s0+$0xFFFFFFB0]  }
0x81: {  	v3 =	vld [tilespmem:s0+$0xFFFFFFC0]  }
0x82: {  	v4 =	vld [tilespmem:s0+$0xFFFFFFD0]  }
0x83: {  	v6 =	vld [tilespmem:s0+$0xFFFFFFE0]  }
0x84: {  	v7 =	vld [tilespmem:s0+$0xFFFFFFF0]  }
0x85: {  	v8 =	vld [tilespmem:s0+$0xFFFFFF90]  }
0x86: {  	v9 =	vld.idx.msk [tilespmem:v0+s19+$0x0], $0xffff  }
0x87: {  	v10 =	vld.idx.msk [tilespmem:v1+s19+$0x0], $0xffff  }
0x88: {  	v5 =	vld.idx.msk [tilespmem:v2+s19+$0x0], $0xffff  }
0x89: {  	v3 =	vld.idx.msk [tilespmem:v3+s19+$0x0], $0xffff  }
0x8a: {  	v0 =	vld.idx.msk [tilespmem:v4+s19+$0x0], $0xffff  }
0x8b: {  	s31 =	simm.s32 $0x1C740;
	v1 =	vld.idx.msk [tilespmem:v6+s19+$0x0], $0xffff  }
0x8c: {  	v2 =	vld.idx.msk [tilespmem:v7+s19+$0x0], $0xffff;
	[tilespmem:s31+$0x30] =	vst v9  }
0x8d: {  	s1 =	simm.s32 $0x20F0;
	s0 =	simm.s32 $0x2000;
	v4 =	vld.idx.msk [tilespmem:v8+s19+$0x0], $0xffff;
	[tilespmem:s31+$0xFFFFFFD0] =	vst v10  }
.LBB2_6:
0x8e: {  	v6 =	vld [tilespmem:s1+$0x0];
	s0 =	sadd.s32 $0x80, s0;
	[tilespmem:s31+$0xFFFFFFE0] =	vst v5  }
0x8f: {  	v5 =	vld [tilespmem:s1+$0xFFFFFFA0];
	p1 =	slt.u32 s0, $0x2F80;
	[tilespmem:s31+$0xFFFFFFF0] =	vst v3  }
0x90: {  	v3 =	vld [tilespmem:s1+$0xFFFFFFB0];
	[tilespmem:s31+$0x0] =	vst v0  }
0x91: {  	v0 =	vld [tilespmem:s1+$0xFFFFFFC0];
	[tilespmem:s31+$0x10] =	vst v1  }
0x92: {  	v1 =	vld [tilespmem:s1+$0xFFFFFFD0];
	[tilespmem:s31+$0x20] =	vst v2  }
0x93: {  	v2 =	vld [tilespmem:s1+$0xFFFFFFE0];
	[tilespmem:s31+$0xFFFFFFC0] =	vst v4  }
0x94: {  	v4 =	vld [tilespmem:s1+$0xFFFFFFF0]  }
0x95: {  	v7 =	vld [tilespmem:s1+$0xFFFFFF90]  }
0x96: {  	v6 =	vld.idx.msk [tilespmem:v6+s19+$0x0], $0xffff  }
0x97: {  	v8 =	vld.idx.msk [tilespmem:v5+s19+$0x0], $0xffff  }
0x98: {  	v5 =	vld.idx.msk [tilespmem:v3+s19+$0x0], $0xffff  }
.Ltmp2:
0x99: {  	v3 =	vld.idx.msk [tilespmem:v0+s19+$0x0], $0xffff;
	(pc) =	sbr.rel @p1 .LBB2_6-.Ltmp2, $4  }
0x9a: {  	v0 =	vld.idx.msk [tilespmem:v1+s19+$0x0], $0xffff  }
0x9b: {  	s31 =	sadd.s32 $0x80, s31;
	v1 =	vld.idx.msk [tilespmem:v2+s19+$0x0], $0xffff  }
0x9c: {  	v2 =	vld.idx.msk [tilespmem:v4+s19+$0x0], $0xffff;
	[tilespmem:s31+$0x30] =	vst v6  }
0x9d: {  	s1 =	sadd.s32 $0x80, s1;
	v4 =	vld.idx.msk [tilespmem:v7+s19+$0x0], $0xffff;
	[tilespmem:s31+$0xFFFFFFD0] =	vst v8  }
0x9e: {  	[tilespmem:s31+$0xFFFFFFE0] =	vst v5  }
0x9f: {  	[tilespmem:s31+$0xFFFFFFF0] =	vst v3  }
0xa0: {  	[tilespmem:s31+$0x0] =	vst v0  }
0xa1: {  	[tilespmem:s31+$0x10] =	vst v1  }
0xa2: {  	[tilespmem:s31+$0x20] =	vst v2  }
0xa3: {  	[tilespmem:s31+$0xFFFFFFC0] =	vst v4  }
0xa4: {  	[hbm4b:s9+s17] =	stream.strided.scatter [tilespmem:s25], [sflag:$0x3], $0x1000, s18, s17, $0x38;
	[tilespmem:$0x1EF00] =	vst v63  }
0xa5: {  	_ =	swait.ge [sflag:s29], $0x1000  }
0xa6: {  	[sflag:s29] =	ssyncset.done $0x0  }
0xa7: {  	s0 =	simm.s32 $0x3070;
	[sflag:s29] =	ssyncadd.s32 $0xFFFFF000  }
0xa8: {  	v0 =	vld [tilespmem:s0+$0x0]  }
0xa9: {  	v1 =	vld [tilespmem:s0+$0xFFFFFFA0]  }
0xaa: {  	v2 =	vld [tilespmem:s0+$0xFFFFFFB0]  }
0xab: {  	v3 =	vld [tilespmem:s0+$0xFFFFFFC0]  }
0xac: {  	v4 =	vld [tilespmem:s0+$0xFFFFFFD0]  }
0xad: {  	v6 =	vld [tilespmem:s0+$0xFFFFFFE0]  }
0xae: {  	v7 =	vld [tilespmem:s0+$0xFFFFFFF0]  }
0xaf: {  	v8 =	vld [tilespmem:s0+$0xFFFFFF90]  }
0xb0: {  	v9 =	vld.idx.msk [tilespmem:v0+s19+$0x0], $0xffff  }
0xb1: {  	v10 =	vld.idx.msk [tilespmem:v1+s19+$0x0], $0xffff  }
0xb2: {  	v5 =	vld.idx.msk [tilespmem:v2+s19+$0x0], $0xffff  }
0xb3: {  	v3 =	vld.idx.msk [tilespmem:v3+s19+$0x0], $0xffff  }
0xb4: {  	v0 =	vld.idx.msk [tilespmem:v4+s19+$0x0], $0xffff  }
0xb5: {  	s31 =	simm.s32 $0x1D740;
	v1 =	vld.idx.msk [tilespmem:v6+s19+$0x0], $0xffff  }
0xb6: {  	v2 =	vld.idx.msk [tilespmem:v7+s19+$0x0], $0xffff;
	[tilespmem:s31+$0x30] =	vst v9  }
0xb7: {  	s1 =	simm.s32 $0x30F0;
	s0 =	simm.s32 $0x3000;
	v4 =	vld.idx.msk [tilespmem:v8+s19+$0x0], $0xffff;
	[tilespmem:s31+$0xFFFFFFD0] =	vst v10  }
.LBB2_8:
0xb8: {  	v6 =	vld [tilespmem:s1+$0x0];
	s0 =	sadd.s32 $0x80, s0;
	[tilespmem:s31+$0xFFFFFFE0] =	vst v5  }
0xb9: {  	v5 =	vld [tilespmem:s1+$0xFFFFFFA0];
	p1 =	slt.u32 s0, $0x3F80;
	[tilespmem:s31+$0xFFFFFFF0] =	vst v3  }
0xba: {  	v3 =	vld [tilespmem:s1+$0xFFFFFFB0];
	[tilespmem:s31+$0x0] =	vst v0  }
0xbb: {  	v0 =	vld [tilespmem:s1+$0xFFFFFFC0];
	[tilespmem:s31+$0x10] =	vst v1  }
0xbc: {  	v1 =	vld [tilespmem:s1+$0xFFFFFFD0];
	[tilespmem:s31+$0x20] =	vst v2  }
0xbd: {  	v2 =	vld [tilespmem:s1+$0xFFFFFFE0];
	[tilespmem:s31+$0xFFFFFFC0] =	vst v4  }
0xbe: {  	v4 =	vld [tilespmem:s1+$0xFFFFFFF0]  }
0xbf: {  	v7 =	vld [tilespmem:s1+$0xFFFFFF90]  }
0xc0: {  	v6 =	vld.idx.msk [tilespmem:v6+s19+$0x0], $0xffff  }
0xc1: {  	v8 =	vld.idx.msk [tilespmem:v5+s19+$0x0], $0xffff  }
0xc2: {  	v5 =	vld.idx.msk [tilespmem:v3+s19+$0x0], $0xffff  }
.Ltmp3:
0xc3: {  	v3 =	vld.idx.msk [tilespmem:v0+s19+$0x0], $0xffff;
	(pc) =	sbr.rel @p1 .LBB2_8-.Ltmp3, $4  }
0xc4: {  	v0 =	vld.idx.msk [tilespmem:v1+s19+$0x0], $0xffff  }
0xc5: {  	s31 =	sadd.s32 $0x80, s31;
	v1 =	vld.idx.msk [tilespmem:v2+s19+$0x0], $0xffff  }
0xc6: {  	v2 =	vld.idx.msk [tilespmem:v4+s19+$0x0], $0xffff;
	[tilespmem:s31+$0x30] =	vst v6  }
0xc7: {  	s1 =	sadd.s32 $0x80, s1;
	v4 =	vld.idx.msk [tilespmem:v7+s19+$0x0], $0xffff;
	[tilespmem:s31+$0xFFFFFFD0] =	vst v8  }
0xc8: {  	[tilespmem:s31+$0xFFFFFFE0] =	vst v5  }
0xc9: {  	[tilespmem:s31+$0xFFFFFFF0] =	vst v3  }
0xca: {  	[tilespmem:s31+$0x0] =	vst v0  }
0xcb: {  	[tilespmem:s31+$0x10] =	vst v1  }
0xcc: {  	[tilespmem:s31+$0x20] =	vst v2  }
0xcd: {  	[tilespmem:s31+$0xFFFFFFC0] =	vst v4  }
0xce: {  	[hbm4b:s10+s17] =	stream.strided.scatter [tilespmem:s26], [sflag:$0x4], $0x1000, s18, s17, $0x38;
	[tilespmem:$0x1EF00] =	vst v63  }
0xcf: {  	_ = 	snop  }
0xd0: {  	[tilespmem:s19], [sflag:$0x1] =	stream.strided.gather [hbm4b:s11+s17], $0x18700, s18, s17, $0x38;
	[tilespmem:$0x1EF00] =	vst v63  }
0xd1: {  	_ = 	snop  }
0xd2: {  	[tilespmem:s4], [sflag:$0x2] =	stream.strided.gather [spmem:s7], $0x4000, s22, s17, $0x38;
	[tilespmem:$0x1EF00] =	vst v63  }
0xd3: {  	_ =	swait.ge [sflag:s23], $0x18700  }
0xd4: {  	[sflag:s23] =	ssyncset.done $0x0  }
0xd5: {  	[sflag:s23] =	ssyncadd.s32 $0xFFFE7900  }
0xd6: {  	_ =	swait.ge [sflag:s24], $0x4000  }
0xd7: {  	[sflag:s24] =	ssyncset.done $0x0  }
0xd8: {  	[sflag:s24] =	ssyncadd.s32 $0xFFFFC000  }
0xd9: {  	_ =	swait.ge [sflag:s28], $0x1000  }
0xda: {  	[sflag:s28] =	ssyncset.done $0x0  }
0xdb: {  	s0 =	simm.s32 $0x40;
	[sflag:s28] =	ssyncadd.s32 $0xFFFFF000  }
0xdc: {  	v0 =	vld [tilespmem:s0+$0x30]  }
0xdd: {  	v1 =	vld [tilespmem:s0+$0xFFFFFFD0]  }
0xde: {  	v2 =	vld [tilespmem:s0+$0xFFFFFFE0]  }
0xdf: {  	v3 =	vld [tilespmem:s0+$0xFFFFFFF0]  }
0xe0: {  	v4 =	vld [tilespmem:s0+$0x0]  }
0xe1: {  	v6 =	vld [tilespmem:s0+$0x10]  }
0xe2: {  	v7 =	vld [tilespmem:s0+$0x20]  }
0xe3: {  	v8 =	vld [tilespmem:s0+$0xFFFFFFC0]  }
0xe4: {  	v9 =	vld.idx.msk [tilespmem:v0+s19+$0x0], $0xffff  }
0xe5: {  	v10 =	vld.idx.msk [tilespmem:v1+s19+$0x0], $0xffff  }
0xe6: {  	v5 =	vld.idx.msk [tilespmem:v2+s19+$0x0], $0xffff  }
0xe7: {  	v3 =	vld.idx.msk [tilespmem:v3+s19+$0x0], $0xffff  }
0xe8: {  	v0 =	vld.idx.msk [tilespmem:v4+s19+$0x0], $0xffff  }
0xe9: {  	s31 =	simm.s32 $0x1C740;
	v1 =	vld.idx.msk [tilespmem:v6+s19+$0x0], $0xffff  }
0xea: {  	v2 =	vld.idx.msk [tilespmem:v7+s19+$0x0], $0xffff;
	[tilespmem:s31+$0x30] =	vst v9  }
0xeb: {  	s1 =	simm.s32 $0xC0;
	s0 =	simm.s32 $0x0;
	v4 =	vld.idx.msk [tilespmem:v8+s19+$0x0], $0xffff;
	[tilespmem:s31+$0xFFFFFFD0] =	vst v10  }
.LBB2_10:
0xec: {  	v6 =	vld [tilespmem:s1+$0x30];
	s0 =	sadd.s32 $0x80, s0;
	[tilespmem:s31+$0xFFFFFFE0] =	vst v5  }
0xed: {  	v5 =	vld [tilespmem:s1+$0xFFFFFFD0];
	p1 =	slt.u32 s0, $0xF80;
	[tilespmem:s31+$0xFFFFFFF0] =	vst v3  }
0xee: {  	v3 =	vld [tilespmem:s1+$0xFFFFFFE0];
	[tilespmem:s31+$0x0] =	vst v0  }
0xef: {  	v0 =	vld [tilespmem:s1+$0xFFFFFFF0];
	[tilespmem:s31+$0x10] =	vst v1  }
0xf0: {  	v1 =	vld [tilespmem:s1+$0x0];
	[tilespmem:s31+$0x20] =	vst v2  }
0xf1: {  	v2 =	vld [tilespmem:s1+$0x10];
	[tilespmem:s31+$0xFFFFFFC0] =	vst v4  }
0xf2: {  	v4 =	vld [tilespmem:s1+$0x20]  }
0xf3: {  	v7 =	vld [tilespmem:s1+$0xFFFFFFC0]  }
0xf4: {  	v6 =	vld.idx.msk [tilespmem:v6+s19+$0x0], $0xffff  }
0xf5: {  	v8 =	vld.idx.msk [tilespmem:v5+s19+$0x0], $0xffff  }
0xf6: {  	v5 =	vld.idx.msk [tilespmem:v3+s19+$0x0], $0xffff  }
.Ltmp4:
0xf7: {  	v3 =	vld.idx.msk [tilespmem:v0+s19+$0x0], $0xffff;
	(pc) =	sbr.rel @p1 .LBB2_10-.Ltmp4, $4  }
0xf8: {  	v0 =	vld.idx.msk [tilespmem:v1+s19+$0x0], $0xffff  }
0xf9: {  	s31 =	sadd.s32 $0x80, s31;
	v1 =	vld.idx.msk [tilespmem:v2+s19+$0x0], $0xffff  }
0xfa: {  	v2 =	vld.idx.msk [tilespmem:v4+s19+$0x0], $0xffff;
	[tilespmem:s31+$0x30] =	vst v6  }
0xfb: {  	s1 =	sadd.s32 $0x80, s1;
	v4 =	vld.idx.msk [tilespmem:v7+s19+$0x0], $0xffff;
	[tilespmem:s31+$0xFFFFFFD0] =	vst v8  }
0xfc: {  	[tilespmem:s31+$0xFFFFFFE0] =	vst v5  }
0xfd: {  	[tilespmem:s31+$0xFFFFFFF0] =	vst v3  }
0xfe: {  	[tilespmem:s31+$0x0] =	vst v0  }
0xff: {  	[tilespmem:s31+$0x10] =	vst v1  }
0x100: {  	[tilespmem:s31+$0x20] =	vst v2  }
0x101: {  	[tilespmem:s31+$0xFFFFFFC0] =	vst v4  }
0x102: {  	[hbm4b:s12+s17] =	stream.strided.scatter [tilespmem:s25], [sflag:$0x3], $0x1000, s18, s17, $0x38;
	[tilespmem:$0x1EF00] =	vst v63  }
0x103: {  	_ =	swait.ge [sflag:s29], $0x1000  }
0x104: {  	[sflag:s29] =	ssyncset.done $0x0  }
0x105: {  	s0 =	simm.s32 $0x1070;
	[sflag:s29] =	ssyncadd.s32 $0xFFFFF000  }
0x106: {  	v0 =	vld [tilespmem:s0+$0x0]  }
0x107: {  	v1 =	vld [tilespmem:s0+$0xFFFFFFA0]  }
0x108: {  	v2 =	vld [tilespmem:s0+$0xFFFFFFB0]  }
0x109: {  	v3 =	vld [tilespmem:s0+$0xFFFFFFC0]  }
0x10a: {  	v4 =	vld [tilespmem:s0+$0xFFFFFFD0]  }
0x10b: {  	v6 =	vld [tilespmem:s0+$0xFFFFFFE0]  }
0x10c: {  	v7 =	vld [tilespmem:s0+$0xFFFFFFF0]  }
0x10d: {  	v8 =	vld [tilespmem:s0+$0xFFFFFF90]  }
0x10e: {  	v9 =	vld.idx.msk [tilespmem:v0+s19+$0x0], $0xffff  }
0x10f: {  	v10 =	vld.idx.msk [tilespmem:v1+s19+$0x0], $0xffff  }
0x110: {  	v5 =	vld.idx.msk [tilespmem:v2+s19+$0x0], $0xffff  }
0x111: {  	v3 =	vld.idx.msk [tilespmem:v3+s19+$0x0], $0xffff  }
0x112: {  	v0 =	vld.idx.msk [tilespmem:v4+s19+$0x0], $0xffff  }
0x113: {  	s31 =	simm.s32 $0x1D740;
	v1 =	vld.idx.msk [tilespmem:v6+s19+$0x0], $0xffff  }
0x114: {  	v2 =	vld.idx.msk [tilespmem:v7+s19+$0x0], $0xffff;
	[tilespmem:s31+$0x30] =	vst v9  }
0x115: {  	s1 =	simm.s32 $0x10F0;
	s0 =	simm.s32 $0x1000;
	v4 =	vld.idx.msk [tilespmem:v8+s19+$0x0], $0xffff;
	[tilespmem:s31+$0xFFFFFFD0] =	vst v10  }
.LBB2_12:
0x116: {  	v6 =	vld [tilespmem:s1+$0x0];
	s0 =	sadd.s32 $0x80, s0;
	[tilespmem:s31+$0xFFFFFFE0] =	vst v5  }
0x117: {  	v5 =	vld [tilespmem:s1+$0xFFFFFFA0];
	p1 =	slt.u32 s0, $0x1F80;
	[tilespmem:s31+$0xFFFFFFF0] =	vst v3  }
0x118: {  	v3 =	vld [tilespmem:s1+$0xFFFFFFB0];
	[tilespmem:s31+$0x0] =	vst v0  }
0x119: {  	v0 =	vld [tilespmem:s1+$0xFFFFFFC0];
	[tilespmem:s31+$0x10] =	vst v1  }
0x11a: {  	v1 =	vld [tilespmem:s1+$0xFFFFFFD0];
	[tilespmem:s31+$0x20] =	vst v2  }
0x11b: {  	v2 =	vld [tilespmem:s1+$0xFFFFFFE0];
	[tilespmem:s31+$0xFFFFFFC0] =	vst v4  }
0x11c: {  	v4 =	vld [tilespmem:s1+$0xFFFFFFF0]  }
0x11d: {  	v7 =	vld [tilespmem:s1+$0xFFFFFF90]  }
0x11e: {  	v6 =	vld.idx.msk [tilespmem:v6+s19+$0x0], $0xffff  }
0x11f: {  	v8 =	vld.idx.msk [tilespmem:v5+s19+$0x0], $0xffff  }
0x120: {  	v5 =	vld.idx.msk [tilespmem:v3+s19+$0x0], $0xffff  }
.Ltmp5:
0x121: {  	v3 =	vld.idx.msk [tilespmem:v0+s19+$0x0], $0xffff;
	(pc) =	sbr.rel @p1 .LBB2_12-.Ltmp5, $4  }
0x122: {  	v0 =	vld.idx.msk [tilespmem:v1+s19+$0x0], $0xffff  }
0x123: {  	s31 =	sadd.s32 $0x80, s31;
	v1 =	vld.idx.msk [tilespmem:v2+s19+$0x0], $0xffff  }
0x124: {  	v2 =	vld.idx.msk [tilespmem:v4+s19+$0x0], $0xffff;
	[tilespmem:s31+$0x30] =	vst v6  }
0x125: {  	s1 =	sadd.s32 $0x80, s1;
	v4 =	vld.idx.msk [tilespmem:v7+s19+$0x0], $0xffff;
	[tilespmem:s31+$0xFFFFFFD0] =	vst v8  }
0x126: {  	[tilespmem:s31+$0xFFFFFFE0] =	vst v5  }
0x127: {  	[tilespmem:s31+$0xFFFFFFF0] =	vst v3  }
0x128: {  	[tilespmem:s31+$0x0] =	vst v0  }
0x129: {  	[tilespmem:s31+$0x10] =	vst v1  }
0x12a: {  	[tilespmem:s31+$0x20] =	vst v2  }
0x12b: {  	[tilespmem:s31+$0xFFFFFFC0] =	vst v4  }
0x12c: {  	[hbm4b:s13+s17] =	stream.strided.scatter [tilespmem:s26], [sflag:$0x4], $0x1000, s18, s17, $0x38;
	[tilespmem:$0x1EF00] =	vst v63  }
0x12d: {  	_ =	swait.ge [sflag:s28], $0x1000  }
0x12e: {  	[sflag:s28] =	ssyncset.done $0x0  }
0x12f: {  	s0 =	simm.s32 $0x2070;
	[sflag:s28] =	ssyncadd.s32 $0xFFFFF000  }
0x130: {  	v0 =	vld [tilespmem:s0+$0x0]  }
0x131: {  	v1 =	vld [tilespmem:s0+$0xFFFFFFA0]  }
0x132: {  	v2 =	vld [tilespmem:s0+$0xFFFFFFB0]  }
0x133: {  	v3 =	vld [tilespmem:s0+$0xFFFFFFC0]  }
0x134: {  	v4 =	vld [tilespmem:s0+$0xFFFFFFD0]  }
0x135: {  	v6 =	vld [tilespmem:s0+$0xFFFFFFE0]  }
0x136: {  	v7 =	vld [tilespmem:s0+$0xFFFFFFF0]  }
0x137: {  	v8 =	vld [tilespmem:s0+$0xFFFFFF90]  }
0x138: {  	v9 =	vld.idx.msk [tilespmem:v0+s19+$0x0], $0xffff  }
0x139: {  	v10 =	vld.idx.msk [tilespmem:v1+s19+$0x0], $0xffff  }
0x13a: {  	v5 =	vld.idx.msk [tilespmem:v2+s19+$0x0], $0xffff  }
0x13b: {  	v3 =	vld.idx.msk [tilespmem:v3+s19+$0x0], $0xffff  }
0x13c: {  	v0 =	vld.idx.msk [tilespmem:v4+s19+$0x0], $0xffff  }
0x13d: {  	s31 =	simm.s32 $0x1C740;
	v1 =	vld.idx.msk [tilespmem:v6+s19+$0x0], $0xffff  }
0x13e: {  	v2 =	vld.idx.msk [tilespmem:v7+s19+$0x0], $0xffff;
	[tilespmem:s31+$0x30] =	vst v9  }
0x13f: {  	s1 =	simm.s32 $0x20F0;
	s0 =	simm.s32 $0x2000;
	v4 =	vld.idx.msk [tilespmem:v8+s19+$0x0], $0xffff;
	[tilespmem:s31+$0xFFFFFFD0] =	vst v10  }
.LBB2_14:
0x140: {  	v6 =	vld [tilespmem:s1+$0x0];
	s0 =	sadd.s32 $0x80, s0;
	[tilespmem:s31+$0xFFFFFFE0] =	vst v5  }
0x141: {  	v5 =	vld [tilespmem:s1+$0xFFFFFFA0];
	p1 =	slt.u32 s0, $0x2F80;
	[tilespmem:s31+$0xFFFFFFF0] =	vst v3  }
0x142: {  	v3 =	vld [tilespmem:s1+$0xFFFFFFB0];
	[tilespmem:s31+$0x0] =	vst v0  }
0x143: {  	v0 =	vld [tilespmem:s1+$0xFFFFFFC0];
	[tilespmem:s31+$0x10] =	vst v1  }
0x144: {  	v1 =	vld [tilespmem:s1+$0xFFFFFFD0];
	[tilespmem:s31+$0x20] =	vst v2  }
0x145: {  	v2 =	vld [tilespmem:s1+$0xFFFFFFE0];
	[tilespmem:s31+$0xFFFFFFC0] =	vst v4  }
0x146: {  	v4 =	vld [tilespmem:s1+$0xFFFFFFF0]  }
0x147: {  	v7 =	vld [tilespmem:s1+$0xFFFFFF90]  }
0x148: {  	v6 =	vld.idx.msk [tilespmem:v6+s19+$0x0], $0xffff  }
0x149: {  	v8 =	vld.idx.msk [tilespmem:v5+s19+$0x0], $0xffff  }
0x14a: {  	v5 =	vld.idx.msk [tilespmem:v3+s19+$0x0], $0xffff  }
.Ltmp6:
0x14b: {  	v3 =	vld.idx.msk [tilespmem:v0+s19+$0x0], $0xffff;
	(pc) =	sbr.rel @p1 .LBB2_14-.Ltmp6, $4  }
0x14c: {  	v0 =	vld.idx.msk [tilespmem:v1+s19+$0x0], $0xffff  }
0x14d: {  	s31 =	sadd.s32 $0x80, s31;
	v1 =	vld.idx.msk [tilespmem:v2+s19+$0x0], $0xffff  }
0x14e: {  	v2 =	vld.idx.msk [tilespmem:v4+s19+$0x0], $0xffff;
	[tilespmem:s31+$0x30] =	vst v6  }
0x14f: {  	s1 =	sadd.s32 $0x80, s1;
	v4 =	vld.idx.msk [tilespmem:v7+s19+$0x0], $0xffff;
	[tilespmem:s31+$0xFFFFFFD0] =	vst v8  }
0x150: {  	[tilespmem:s31+$0xFFFFFFE0] =	vst v5  }
0x151: {  	[tilespmem:s31+$0xFFFFFFF0] =	vst v3  }
0x152: {  	[tilespmem:s31+$0x0] =	vst v0  }
0x153: {  	[tilespmem:s31+$0x10] =	vst v1  }
0x154: {  	[tilespmem:s31+$0x20] =	vst v2  }
0x155: {  	[tilespmem:s31+$0xFFFFFFC0] =	vst v4  }
0x156: {  	[hbm4b:s14+s17] =	stream.strided.scatter [tilespmem:s25], [sflag:$0x3], $0x1000, s18, s17, $0x38;
	[tilespmem:$0x1EF00] =	vst v63  }
0x157: {  	_ =	swait.ge [sflag:s29], $0x1000  }
0x158: {  	[sflag:s29] =	ssyncset.done $0x0  }
0x159: {  	s0 =	simm.s32 $0x3070;
	[sflag:s29] =	ssyncadd.s32 $0xFFFFF000  }
0x15a: {  	v0 =	vld [tilespmem:s0+$0x0]  }
0x15b: {  	v1 =	vld [tilespmem:s0+$0xFFFFFFA0]  }
0x15c: {  	v2 =	vld [tilespmem:s0+$0xFFFFFFB0]  }
0x15d: {  	v3 =	vld [tilespmem:s0+$0xFFFFFFC0]  }
0x15e: {  	v4 =	vld [tilespmem:s0+$0xFFFFFFD0]  }
0x15f: {  	v6 =	vld [tilespmem:s0+$0xFFFFFFE0]  }
0x160: {  	v7 =	vld [tilespmem:s0+$0xFFFFFFF0]  }
0x161: {  	v8 =	vld [tilespmem:s0+$0xFFFFFF90]  }
0x162: {  	v9 =	vld.idx.msk [tilespmem:v0+s19+$0x0], $0xffff  }
0x163: {  	v10 =	vld.idx.msk [tilespmem:v1+s19+$0x0], $0xffff  }
0x164: {  	v5 =	vld.idx.msk [tilespmem:v2+s19+$0x0], $0xffff  }
0x165: {  	v3 =	vld.idx.msk [tilespmem:v3+s19+$0x0], $0xffff  }
0x166: {  	v0 =	vld.idx.msk [tilespmem:v4+s19+$0x0], $0xffff  }
0x167: {  	s31 =	simm.s32 $0x1D740;
	v1 =	vld.idx.msk [tilespmem:v6+s19+$0x0], $0xffff  }
0x168: {  	v2 =	vld.idx.msk [tilespmem:v7+s19+$0x0], $0xffff;
	[tilespmem:s31+$0x30] =	vst v9  }
0x169: {  	s1 =	simm.s32 $0x30F0;
	s0 =	simm.s32 $0x3000;
	v4 =	vld.idx.msk [tilespmem:v8+s19+$0x0], $0xffff;
	[tilespmem:s31+$0xFFFFFFD0] =	vst v10  }
.LBB2_16:
0x16a: {  	v6 =	vld [tilespmem:s1+$0x0];
	s0 =	sadd.s32 $0x80, s0;
	[tilespmem:s31+$0xFFFFFFE0] =	vst v5  }
0x16b: {  	v5 =	vld [tilespmem:s1+$0xFFFFFFA0];
	p1 =	slt.u32 s0, $0x3F80;
	[tilespmem:s31+$0xFFFFFFF0] =	vst v3  }
0x16c: {  	v3 =	vld [tilespmem:s1+$0xFFFFFFB0];
	[tilespmem:s31+$0x0] =	vst v0  }
0x16d: {  	v0 =	vld [tilespmem:s1+$0xFFFFFFC0];
	[tilespmem:s31+$0x10] =	vst v1  }
0x16e: {  	v1 =	vld [tilespmem:s1+$0xFFFFFFD0];
	[tilespmem:s31+$0x20] =	vst v2  }
0x16f: {  	v2 =	vld [tilespmem:s1+$0xFFFFFFE0];
	[tilespmem:s31+$0xFFFFFFC0] =	vst v4  }
0x170: {  	v4 =	vld [tilespmem:s1+$0xFFFFFFF0]  }
0x171: {  	v7 =	vld [tilespmem:s1+$0xFFFFFF90]  }
0x172: {  	v6 =	vld.idx.msk [tilespmem:v6+s19+$0x0], $0xffff  }
0x173: {  	v8 =	vld.idx.msk [tilespmem:v5+s19+$0x0], $0xffff  }
0x174: {  	v5 =	vld.idx.msk [tilespmem:v3+s19+$0x0], $0xffff  }
.Ltmp7:
0x175: {  	v3 =	vld.idx.msk [tilespmem:v0+s19+$0x0], $0xffff;
	(pc) =	sbr.rel @p1 .LBB2_16-.Ltmp7, $4  }
0x176: {  	v0 =	vld.idx.msk [tilespmem:v1+s19+$0x0], $0xffff  }
0x177: {  	s31 =	sadd.s32 $0x80, s31;
	v1 =	vld.idx.msk [tilespmem:v2+s19+$0x0], $0xffff  }
0x178: {  	v2 =	vld.idx.msk [tilespmem:v4+s19+$0x0], $0xffff;
	[tilespmem:s31+$0x30] =	vst v6  }
0x179: {  	s1 =	sadd.s32 $0x80, s1;
	v4 =	vld.idx.msk [tilespmem:v7+s19+$0x0], $0xffff;
	[tilespmem:s31+$0xFFFFFFD0] =	vst v8  }
0x17a: {  	[tilespmem:s31+$0xFFFFFFE0] =	vst v5  }
0x17b: {  	[tilespmem:s31+$0xFFFFFFF0] =	vst v3  }
0x17c: {  	[tilespmem:s31+$0x0] =	vst v0  }
0x17d: {  	[tilespmem:s31+$0x10] =	vst v1  }
0x17e: {  	[tilespmem:s31+$0x20] =	vst v2  }
0x17f: {  	s30 =	sadd.s32 $0x1, s30;
	[tilespmem:s31+$0xFFFFFFC0] =	vst v4  }
0x180: {  	[hbm4b:s15+s17] =	stream.strided.scatter [tilespmem:s26], [sflag:$0x4], $0x1000, s18, s17, $0x38;
	[tilespmem:$0x1EF00] =	vst v63  }
0x181: {  	p1 =	sne.s32 s30, s16;
	_ =	swait.ge [sflag:s28], $0x1000  }
.Ltmp8:
0x182: {  	[sflag:s28] =	ssyncset.done $0x0;
	(pc) =	sbr.rel @p1 .LBB2_1-.Ltmp8, $4  }
0x183: {  	[sflag:s28] =	ssyncadd.s32 $0xFFFFF000  }
0x184: {  	_ =	swait.ge [sflag:s29], $0x1000  }
0x185: {  	[sflag:s29] =	ssyncset.done $0x0  }
0x186: {  	[sflag:s29] =	ssyncadd.s32 $0xFFFFF000  }
0x187: {  	_ =	sfence.sel $0x180000  }
0x188: {  	[bflag:$0x0] =	sbarrier.arrive $0xFFFF  }
0x189: {  	_ =	strace $0x90000047  }
0x18a: {  	[bflag:$0x2] =	sbarrier.arrive $0xFFFF  }
0x18b: {  	s0 =	rddreg [dreg:$0x6]  }
0x18c: {  	s0 =	sadd.s32 @!p0 $0x100000, s0  }
0x18d: {  	[sflag:s0] =	ssyncadd.tile.s32 @!p0 $0x1;
	_ =	shalt  }
.Lfunc_end2:
_tile_overlayer_lowered:
.L_overlay_start_2:
0x18e: {  	(tag) =	ssettag $0x2  }
0x18f: {  	s0 =	rddreg [dreg:$0x0];
	s2 =	stileid.u32  }
0x190: {  	s1 =	rddreg [dreg:$0x1];
	p0 =	sne.s32 s2, $0x0  }
0x191: {  	s3 =	rddreg [dreg:$0x2];
	[bflag:$0x3] =	sbarrier.arrive $0xFFFF;
	s2 =	simm.s32 @!p0 $0x1C05  }
0x192: {  	[timem:s3], [sflag:s2] =	dma.local @!p0 [hbm:s0], s1  }
0x193: {  	s0 =	simm.s32 @!p0 $0x5  }
0x194: {  	_ =	swait.ge @!p0 [sflag:s0], s1  }
0x195: {  	s1 =	ssub.s32 @!p0 $0x0, s1;
	[sflag:s0] =	ssyncset.done @!p0 $0x0  }
0x196: {  	[sflag:s0] =	ssyncadd.s32 @!p0 s1  }
0x197: {  	[bflag:$0x3] =	sbarrier.arrive $0xFFFF  }
0x198: {  	_ =	shalt  }

</sc_bundles>
